<compile_context>
chip_gen: v7x
topology: tpu7x:2x2x1
jax: 0.10.2.dev20260603
libtpu: 0.0.44.dev20260713+nightly
codegen_flags: <defaults>
</compile_context>

<pallas_src>
import functools

import jax
import jax.numpy as jnp
from jax import lax
from jax.experimental import pallas as pl
from jax.experimental.pallas import tpu as pltpu
from jax.experimental.pallas import tpu_sc as plsc

N_EX = 1000
N_KC = 100
D = 128
NHEADS = 4
ALPHA = 0.2

_F32 = jnp.float32


def _dense_body(xe_ref, xk_ref, adjek_ref, adjee_ref, adjkk_ref, watt_ref,
                asrc_ref, adst_ref, wee_ref, wkk_ref, de_ref, dr_ref,
                e_out, ce_out, ck_out, te_out, tr_out, ie_out, ir_out):
    f32 = _F32
    xe = xe_ref[...]
    xk = xk_ref[...]

    ce_out[...] = jnp.maximum(
        jnp.dot(adjee_ref[...], jnp.dot(xe, wee_ref[...],
                                        preferred_element_type=f32),
                preferred_element_type=f32), 0.0)
    ck_out[...] = jnp.maximum(
        jnp.dot(adjkk_ref[...], jnp.dot(xk, wkk_ref[...],
                                        preferred_element_type=f32),
                preferred_element_type=f32), 0.0)

    adj = adjek_ref[...]
    ones_col = jnp.ones((N_EX, 1), f32)
    row_i = lax.broadcasted_iota(jnp.int32, (D, D), 0)
    col_i = lax.broadcasted_iota(jnp.int32, (D, D), 1)

    acc = jnp.zeros((N_EX, D), f32)
    for h in range(NHEADS):
        w = watt_ref[h]
        whe = jnp.dot(xe, w, preferred_element_type=f32)
        whk = jnp.dot(xk, w, preferred_element_type=f32)
        u = jnp.dot(whe, asrc_ref[h], preferred_element_type=f32)
        v = jnp.dot(whk, adst_ref[h], preferred_element_type=f32)
        vb = lax.dot_general(ones_col, v, (((1,), (1,)), ((), ())),
                             preferred_element_type=f32)
        e = u + vb
        e = jnp.where(e > 0, e, ALPHA * e)
        e = jnp.where(adj > 0, e, -9e15)
        m = jnp.max(e, axis=1, keepdims=True)
        p = jnp.exp(e - m)
        att = p / jnp.sum(p, axis=1, keepdims=True)
        head = jnp.dot(att, whk, preferred_element_type=f32)
        head = jnp.where(head > 0, head, jnp.exp(head) - 1.0)
        r_h = jnp.where(col_i == 32 * h + row_i // 4, 0.25, 0.0).astype(f32)
        acc = acc + jnp.dot(head, r_h, preferred_element_type=f32)
    e_out[...] = acc

    zpad = jnp.zeros((8, D), f32)
    te_out[0:N_EX] = acc
    te_out[N_EX:N_EX + 8] = zpad
    z = jnp.zeros((N_EX, D), f32)
    tr_out[0:N_EX] = jnp.concatenate([z, acc], axis=1)
    tr_out[N_EX:2 * N_EX] = jnp.concatenate([acc, z], axis=1)
    tr_out[2 * N_EX:2 * N_EX + 8] = jnp.concatenate([zpad, zpad], axis=1)

    qe = de_ref[...].T
    ie_out[...] = jnp.where(qe == 0, N_EX, qe - 1)
    qr = dr_ref[...].T
    ir_out[...] = jnp.where(qr == 0, 2 * N_EX, qr - 1)


def _make_dense_call(b, s):
    return pl.pallas_call(
        _dense_body,
        out_shape=[
            jax.ShapeDtypeStruct((N_EX, D), _F32),
            jax.ShapeDtypeStruct((N_EX, D), _F32),
            jax.ShapeDtypeStruct((N_KC, D), _F32),
            jax.ShapeDtypeStruct((N_EX + 8, D), _F32),
            jax.ShapeDtypeStruct((2 * N_EX + 8, 2 * D), _F32),
            jax.ShapeDtypeStruct((s, b), jnp.int32),
            jax.ShapeDtypeStruct((s, b), jnp.int32),
        ],
    )


_NW = 32
_SLOTS = 4


_CH = 64


def _sc_gather_body(rows_w, te, tr, idxe, idxr, out1, out2,
                    idxe_v, idxr_v, bufs1, bufs2, *sems):
    g1 = sems[:_SLOTS]
    g2 = sems[_SLOTS:2 * _SLOTS]
    w1 = sems[2 * _SLOTS:3 * _SLOTS]
    w2 = sems[3 * _SLOTS:]
    sid = lax.axis_index("s")
    wid = lax.axis_index("c") * 16 + sid
    obase = wid * rows_w

    pltpu.sync_copy(idxe.at[pl.ds(obase, rows_w)], idxe_v)
    pltpu.sync_copy(idxr.at[pl.ds(obase, rows_w)], idxr_v)

    def body(i, carry):
        cps = []
        for k in range(_SLOTS):
            j = i * _SLOTS + k

            @pl.when(i > 0)
            def _():
                pltpu.make_async_copy(
                    bufs1.at[k], out1.at[pl.ds(obase, _CH)], w1[k]).wait()
                pltpu.make_async_copy(
                    bufs2.at[k], out2.at[pl.ds(obase, _CH)], w2[k]).wait()

            sl = pl.ds(j * _CH, _CH)
            cps.append((pltpu.async_copy(te.at[idxe_v.at[sl]], bufs1.at[k],
                                         g1[k]),
                        pltpu.async_copy(tr.at[idxr_v.at[sl]], bufs2.at[k],
                                         g2[k])))
        for k in range(_SLOTS):
            j = i * _SLOTS + k
            cp1, cp2 = cps[k]
            cp1.wait()
            pltpu.async_copy(bufs1.at[k],
                             out1.at[pl.ds(obase + j * _CH, _CH)], w1[k])
            cp2.wait()
            pltpu.async_copy(bufs2.at[k],
                             out2.at[pl.ds(obase + j * _CH, _CH)], w2[k])
        return carry

    lax.fori_loop(0, rows_w // (_CH * _SLOTS), body, 0)
    for k in range(_SLOTS):
        pltpu.make_async_copy(
            bufs1.at[k], out1.at[pl.ds(obase, _CH)], w1[k]).wait()
        pltpu.make_async_copy(
            bufs2.at[k], out2.at[pl.ds(obase, _CH)], w2[k]).wait()


@functools.lru_cache(maxsize=None)
def _make_sc_gather(n_rows):
    rows_w = n_rows // _NW
    mesh = plsc.VectorSubcoreMesh(core_axis_name="c", subcore_axis_name="s")
    return pl.kernel(
        functools.partial(_sc_gather_body, rows_w),
        out_type=[
            jax.ShapeDtypeStruct((n_rows, D), _F32),
            jax.ShapeDtypeStruct((n_rows, 2 * D), _F32),
        ],
        mesh=mesh,
        scratch_types=[
            pltpu.VMEM((rows_w,), jnp.int32),
            pltpu.VMEM((rows_w,), jnp.int32),
            pltpu.VMEM((_SLOTS, _CH, D), _F32),
            pltpu.VMEM((_SLOTS, _CH, 2 * D), _F32),
        ] + [pltpu.SemaphoreType.DMA] * (4 * _SLOTS),
    )


def kernel(exercise_node_embedding, kc_node_mebedding, adj_exercise_kc,
           adj_EE_view, adj_KK_view, exercise_data, exercise_respond_data,
           seqlen, W_att, a_att, W_EE, W_KK):
    b, s = exercise_data.shape
    n_rows = b * s

    asrc = a_att[:, :D]
    adst = a_att[:, D:]

    (ex_emb, contrastive_e, contrastive_k, table_e, table_r,
     idxe, idxr) = _make_dense_call(b, s)(
        exercise_node_embedding, kc_node_mebedding, adj_exercise_kc,
        adj_EE_view, adj_KK_view, W_att, asrc, adst, W_EE, W_KK,
        exercise_data.astype(jnp.int32),
        exercise_respond_data.astype(jnp.int32))

    out1, out2 = _make_sc_gather(n_rows)(
        table_e, table_r, idxe.reshape(n_rows), idxr.reshape(n_rows))

    return (out2.reshape(s, b, 2 * D),
            out1.reshape(s, b, D),
            ex_emb, contrastive_e, contrastive_k)

# --- scband reference (transcript-rebuilt; emitter-appended) ---
"""Pipeline reference for scband-preprocessing-embedd-5815385719419 (READ-ONLY COPY).

The authoritative reference and input builder live on the scoring server;
editing this copy changes nothing except your own understanding.
"""

import jax, jax.numpy as jnp
import numpy as np

N_EX = 1000
N_KC = 100
D = 128
NHEADS = 4
B = 1024
S = 200
ALPHA = 0.2


def _gat_bipartite(x_e, x_k, adj, W, a):
    # GAT-style bipartite attention (exercise -> KC), eval mode (no dropout)
    Wh_e = x_e @ W
    Wh_k = x_k @ W
    a_src = a[:D]
    a_dst = a[D:]
    e = jax.nn.leaky_relu(Wh_e @ a_src + (Wh_k @ a_dst).T, negative_slope=ALPHA)
    e = jnp.where(adj > 0, e, -9e15)
    att = jax.nn.softmax(e, axis=1)
    return jax.nn.elu(att @ Wh_k)


def _gcn(x, adj, W):
    # Graph_encoder2: simple one-layer graph encoder
    return jax.nn.relu(adj @ (x @ W))


def setup_inputs(seed: int = 0):
    key = jax.random.key(seed)
    ks = jax.random.split(key, 11)
    return {
        "exercise_node_embedding": jax.random.normal(ks[0], (N_EX, D), jnp.float32),
        "kc_node_mebedding": jax.random.normal(ks[1], (N_KC, D), jnp.float32),
        "adj_exercise_kc": (jax.random.uniform(ks[2], (N_EX, N_KC)) < 0.1).astype(jnp.float32),
        "adj_EE_view": (jax.random.uniform(ks[3], (N_EX, N_EX)) < 0.02).astype(jnp.float32),
        "adj_KK_view": (jax.random.uniform(ks[4], (N_KC, N_KC)) < 0.2).astype(jnp.float32),
        "exercise_data": jax.random.randint(ks[5], (B, S), 0, N_EX + 1),
        "exercise_respond_data": jax.random.randint(ks[6], (B, S), 0, 2 * N_EX + 1),
        "seqlen": S,
        "W_att": jax.random.normal(ks[7], (NHEADS, D, D), jnp.float32) * 0.05,
        "a_att": jax.random.normal(ks[8], (NHEADS, 2 * D, 1), jnp.float32) * 0.05,
        "W_EE": jax.random.normal(ks[9], (D, D), jnp.float32) * 0.05,
        "W_KK": jax.random.normal(ks[10], (D, D), jnp.float32) * 0.05,
    }


def reference(exercise_node_embedding, kc_node_mebedding, adj_exercise_kc, adj_EE_view, adj_KK_view, exercise_data, exercise_respond_data, seqlen, W_att, a_att, W_EE, W_KK):
    contrastive_exercises = _gcn(exercise_node_embedding, adj_EE_view, W_EE)
    contrastive_KCs = _gcn(kc_node_mebedding, adj_KK_view, W_KK)
    heads = [_gat_bipartite(exercise_node_embedding, kc_node_mebedding, adj_exercise_kc, W_att[h], a_att[h]) for h in range(NHEADS)]
    # torch: cat(heads, dim=1).view(N_EX, D, NHEADS).mean(2) -- row-major reshape, faithful
    exercise_embedding = jnp.concatenate(heads, axis=1).reshape(N_EX, D, NHEADS).mean(axis=2)
    table_e = jnp.concatenate([jnp.zeros((1, D), jnp.float32), exercise_embedding], axis=0)
    # torch loop of index_select over S chunks of [B,1] == gather per time step, stacked -> [S, B, D]
    slice_exercise_embedd_data = jnp.take(table_e, exercise_data.T, axis=0)
    zeros = jnp.zeros_like(exercise_embedding)
    cat1 = jnp.concatenate([zeros, exercise_embedding], axis=-1)
    cat2 = jnp.concatenate([exercise_embedding, zeros], axis=-1)
    response_embedding = jnp.concatenate([cat1, cat2], axis=-2)  # [2*N_EX, 2*D]
    table_r = jnp.concatenate([jnp.zeros((1, 2 * D), jnp.float32), response_embedding], axis=0)
    slice_respond_embedd_data = jnp.take(table_r, exercise_respond_data.T, axis=0)  # [S, B, 2*D]
    return (slice_respond_embedd_data, slice_exercise_embedd_data, exercise_embedding, contrastive_exercises, contrastive_KCs)

if __name__ == "__main__":
    import jax
    _d = setup_inputs()
    print(jax.jit(kernel)(*tuple(_d.values())))

</pallas_src>

<mosaic_0001>
#map = affine_map<(d0, d1) -> (0, 0)>
#map1 = affine_map<(d0, d1) -> (0)>
module attributes {stable_mosaic.version = 14 : i64} {
  func.func @_sc_gather_body(%arg0: i32, %arg1: i32, %arg2: memref<1008x128xf32, #tpu.memory_space<hbm>>, %arg3: memref<2008x256xf32, #tpu.memory_space<hbm>>, %arg4: memref<204800xi32, #tpu.memory_space<hbm>>, %arg5: memref<204800xi32, #tpu.memory_space<hbm>>, %arg6: memref<204800x128xf32, #tpu.memory_space<hbm>>, %arg7: memref<204800x256xf32, #tpu.memory_space<hbm>>, %arg8: memref<6400xi32, #tpu.memory_space<vmem>>, %arg9: memref<6400xi32, #tpu.memory_space<vmem>>, %arg10: memref<4x64x128xf32, #tpu.memory_space<vmem>>, %arg11: memref<4x64x256xf32, #tpu.memory_space<vmem>>, %arg12: memref<!tpu.dma_semaphore, #tpu.memory_space<semaphore_mem>>, %arg13: memref<!tpu.dma_semaphore, #tpu.memory_space<semaphore_mem>>, %arg14: memref<!tpu.dma_semaphore, #tpu.memory_space<semaphore_mem>>, %arg15: memref<!tpu.dma_semaphore, #tpu.memory_space<semaphore_mem>>, %arg16: memref<!tpu.dma_semaphore, #tpu.memory_space<semaphore_mem>>, %arg17: memref<!tpu.dma_semaphore, #tpu.memory_space<semaphore_mem>>, %arg18: memref<!tpu.dma_semaphore, #tpu.memory_space<semaphore_mem>>, %arg19: memref<!tpu.dma_semaphore, #tpu.memory_space<semaphore_mem>>, %arg20: memref<!tpu.dma_semaphore, #tpu.memory_space<semaphore_mem>>, %arg21: memref<!tpu.dma_semaphore, #tpu.memory_space<semaphore_mem>>, %arg22: memref<!tpu.dma_semaphore, #tpu.memory_space<semaphore_mem>>, %arg23: memref<!tpu.dma_semaphore, #tpu.memory_space<semaphore_mem>>, %arg24: memref<!tpu.dma_semaphore, #tpu.memory_space<semaphore_mem>>, %arg25: memref<!tpu.dma_semaphore, #tpu.memory_space<semaphore_mem>>, %arg26: memref<!tpu.dma_semaphore, #tpu.memory_space<semaphore_mem>>, %arg27: memref<!tpu.dma_semaphore, #tpu.memory_space<semaphore_mem>>) attributes {dimension_semantics = [#tpu.dimension_semantics<core_parallel>, #tpu.dimension_semantics<subcore_parallel>], iteration_bounds = array<i64: 2, 16>, scalar_prefetch = 0 : i64, scratch_operands = 20 : i64, tpu.core_type = #tpu.core_type<sc_vector_subcore>, window_params = [{transform_indices = #map}, {transform_indices = #map}, {transform_indices = #map1}, {transform_indices = #map1}, {transform_indices = #map}, {transform_indices = #map}]} {
    %mul3A = arith.constant 16 : i32
    %mul3A_0 = arith.muli %arg0, %mul3A : i32
    %add3A = arith.addi %mul3A_0, %arg1 : i32
    %mul3A_1 = arith.constant 6400 : i32
    %mul3A_2 = arith.muli %add3A, %mul3A_1 : i32
    "tpu.region"() ({
      %run_scoped3A = tpu.sem_alloc : memref<!tpu.dma_semaphore, #tpu.memory_space<semaphore_mem>>
      %dma_start3A = tpu.memref_slice %arg4[%mul3A_2] : memref<204800xi32, #tpu.memory_space<hbm>> -> memref<6400xi32, #tpu.memory_space<hbm>>
      %dma_start3A_111 = tpu.memref_slice %arg4[%mul3A_2] : memref<204800xi32, #tpu.memory_space<hbm>> -> memref<6400xi32, #tpu.memory_space<hbm>>
      tpu.enqueue_dma source(%dma_start3A_111 : memref<6400xi32, #tpu.memory_space<hbm>>) target(%arg8 : memref<6400xi32, #tpu.memory_space<vmem>>) target_semaphore(%run_scoped3A : memref<!tpu.dma_semaphore, #tpu.memory_space<semaphore_mem>>)
      %dma_wait3A_112 = tpu.memref_slice %arg4[%mul3A_2] : memref<204800xi32, #tpu.memory_space<hbm>> -> memref<6400xi32, #tpu.memory_space<hbm>>
      %dma_wait3A_113 = tpu.memref_slice %arg4[%mul3A_2] : memref<204800xi32, #tpu.memory_space<hbm>> -> memref<6400xi32, #tpu.memory_space<hbm>>
      tpu.wait_dma2 semaphore(%run_scoped3A : memref<!tpu.dma_semaphore, #tpu.memory_space<semaphore_mem>>) src(%dma_wait3A_113 : memref<6400xi32, #tpu.memory_space<hbm>>) dst(%arg8 : memref<6400xi32, #tpu.memory_space<vmem>>)
      tpu.yield
    }) : () -> ()
    "tpu.region"() ({
      %run_scoped3A = tpu.sem_alloc : memref<!tpu.dma_semaphore, #tpu.memory_space<semaphore_mem>>
      %dma_start3A = tpu.memref_slice %arg5[%mul3A_2] : memref<204800xi32, #tpu.memory_space<hbm>> -> memref<6400xi32, #tpu.memory_space<hbm>>
      %dma_start3A_111 = tpu.memref_slice %arg5[%mul3A_2] : memref<204800xi32, #tpu.memory_space<hbm>> -> memref<6400xi32, #tpu.memory_space<hbm>>
      tpu.enqueue_dma source(%dma_start3A_111 : memref<6400xi32, #tpu.memory_space<hbm>>) target(%arg9 : memref<6400xi32, #tpu.memory_space<vmem>>) target_semaphore(%run_scoped3A : memref<!tpu.dma_semaphore, #tpu.memory_space<semaphore_mem>>)
      %dma_wait3A_112 = tpu.memref_slice %arg5[%mul3A_2] : memref<204800xi32, #tpu.memory_space<hbm>> -> memref<6400xi32, #tpu.memory_space<hbm>>
      %dma_wait3A_113 = tpu.memref_slice %arg5[%mul3A_2] : memref<204800xi32, #tpu.memory_space<hbm>> -> memref<6400xi32, #tpu.memory_space<hbm>>
      tpu.wait_dma2 semaphore(%run_scoped3A : memref<!tpu.dma_semaphore, #tpu.memory_space<semaphore_mem>>) src(%dma_wait3A_113 : memref<6400xi32, #tpu.memory_space<hbm>>) dst(%arg9 : memref<6400xi32, #tpu.memory_space<vmem>>)
      tpu.yield
    }) : () -> ()
    %scan3A = arith.constant 0 : i32
    %scan3A_3 = arith.constant 0 : i32
    %scan3A_4 = arith.constant 25 : i32
    %scan3A_5 = arith.addi %scan3A_3, %scan3A_4 : i32
    %scan3A_6 = arith.constant 1 : i32
    scf.for %scan3A_111 = %scan3A_3 to %scan3A_5 step %scan3A_6  : i32 {
      %mul3A_112 = arith.constant 4 : i32
      %mul3A_113 = arith.muli %scan3A_111, %mul3A_112 : i32
      %add3A_114 = arith.constant 0 : i32
      %add3A_115 = arith.addi %mul3A_113, %add3A_114 : i32
      %gt3A = arith.constant 0 : i32
      %gt3A_116 = arith.cmpi sgt, %scan3A_111, %gt3A : i32
      %convert_element_type3A = arith.extui %gt3A_116 : i1 to i32
      %cond3A = arith.constant 0 : i32
      %cond3A_117 = arith.cmpi ne, %convert_element_type3A, %cond3A : i32
      scf.if %cond3A_117 {
        %dma_wait3A_440 = arith.constant 0 : i32
        %dma_wait3A_441 = arith.constant 0 : i32
        %dma_wait3A_442 = arith.constant 0 : i32
        %dma_wait3A_443 = tpu.memref_slice %arg10[%dma_wait3A_440, %dma_wait3A_441, %dma_wait3A_442] : memref<4x64x128xf32, #tpu.memory_space<vmem>> -> memref<1x64x128xf32, #tpu.memory_space<vmem>>
        %dma_wait3A_444 = tpu.memref_squeeze %dma_wait3A_443 : memref<1x64x128xf32, #tpu.memory_space<vmem>> -> memref<64x128xf32, #tpu.memory_space<vmem>>
        %dma_wait3A_445 = arith.constant 0 : i32
        %dma_wait3A_446 = tpu.memref_slice %arg6[%mul3A_2, %dma_wait3A_445] : memref<204800x128xf32, #tpu.memory_space<hbm>> -> memref<64x128xf32, #tpu.memory_space<hbm>>
        %dma_wait3A_447 = arith.constant 0 : i32
        %dma_wait3A_448 = tpu.memref_slice %arg6[%mul3A_2, %dma_wait3A_447] : memref<204800x128xf32, #tpu.memory_space<hbm>> -> memref<64x128xf32, #tpu.memory_space<hbm>>
        %dma_wait3A_449 = arith.constant 0 : i32
        %dma_wait3A_450 = arith.constant 0 : i32
        %dma_wait3A_451 = tpu.memref_slice %arg10[%dma_wait3A_440, %dma_wait3A_449, %dma_wait3A_450] : memref<4x64x128xf32, #tpu.memory_space<vmem>> -> memref<1x64x128xf32, #tpu.memory_space<vmem>>
        %dma_wait3A_452 = tpu.memref_squeeze %dma_wait3A_451 : memref<1x64x128xf32, #tpu.memory_space<vmem>> -> memref<64x128xf32, #tpu.memory_space<vmem>>
        tpu.wait_dma2 semaphore(%arg20 : memref<!tpu.dma_semaphore, #tpu.memory_space<semaphore_mem>>) src(%dma_wait3A_452 : memref<64x128xf32, #tpu.memory_space<vmem>>) dst(%dma_wait3A_448 : memref<64x128xf32, #tpu.memory_space<hbm>>)
        %dma_wait3A_453 = arith.constant 0 : i32
        %dma_wait3A_454 = arith.constant 0 : i32
        %dma_wait3A_455 = arith.constant 0 : i32
        %dma_wait3A_456 = tpu.memref_slice %arg11[%dma_wait3A_453, %dma_wait3A_454, %dma_wait3A_455] : memref<4x64x256xf32, #tpu.memory_space<vmem>> -> memref<1x64x256xf32, #tpu.memory_space<vmem>>
        %dma_wait3A_457 = tpu.memref_squeeze %dma_wait3A_456 : memref<1x64x256xf32, #tpu.memory_space<vmem>> -> memref<64x256xf32, #tpu.memory_space<vmem>>
        %dma_wait3A_458 = arith.constant 0 : i32
        %dma_wait3A_459 = tpu.memref_slice %arg7[%mul3A_2, %dma_wait3A_458] : memref<204800x256xf32, #tpu.memory_space<hbm>> -> memref<64x256xf32, #tpu.memory_space<hbm>>
        %dma_wait3A_460 = arith.constant 0 : i32
        %dma_wait3A_461 = tpu.memref_slice %arg7[%mul3A_2, %dma_wait3A_460] : memref<204800x256xf32, #tpu.memory_space<hbm>> -> memref<64x256xf32, #tpu.memory_space<hbm>>
        %dma_wait3A_462 = arith.constant 0 : i32
        %dma_wait3A_463 = arith.constant 0 : i32
        %dma_wait3A_464 = tpu.memref_slice %arg11[%dma_wait3A_453, %dma_wait3A_462, %dma_wait3A_463] : memref<4x64x256xf32, #tpu.memory_space<vmem>> -> memref<1x64x256xf32, #tpu.memory_space<vmem>>
        %dma_wait3A_465 = tpu.memref_squeeze %dma_wait3A_464 : memref<1x64x256xf32, #tpu.memory_space<vmem>> -> memref<64x256xf32, #tpu.memory_space<vmem>>
        tpu.wait_dma2 semaphore(%arg24 : memref<!tpu.dma_semaphore, #tpu.memory_space<semaphore_mem>>) src(%dma_wait3A_465 : memref<64x256xf32, #tpu.memory_space<vmem>>) dst(%dma_wait3A_461 : memref<64x256xf32, #tpu.memory_space<hbm>>)
      } else {
      }
      %mul3A_118 = arith.constant 64 : i32
      %mul3A_119 = arith.muli %add3A_115, %mul3A_118 : i32
      %dma_start3A = arith.constant 0 : i32
      %dma_start3A_120 = arith.constant 0 : i32
      %dma_start3A_121 = arith.constant 0 : i32
      %dma_start3A_122 = tpu.memref_slice %arg10[%dma_start3A, %dma_start3A_120, %dma_start3A_121] : memref<4x64x128xf32, #tpu.memory_space<vmem>> -> memref<1x64x128xf32, #tpu.memory_space<vmem>>
      %dma_start3A_123 = tpu.memref_squeeze %dma_start3A_122 : memref<1x64x128xf32, #tpu.memory_space<vmem>> -> memref<64x128xf32, #tpu.memory_space<vmem>>
      %dma_start3A_124 = tpu.memref_slice %arg8[%mul3A_119] : memref<6400xi32, #tpu.memory_space<vmem>> -> memref<64xi32, #tpu.memory_space<vmem>>
      %dma_start3A_125 = arith.constant 0 : i32
      %dma_start3A_126 = arith.constant 0 : i32
      %dma_start3A_127 = tpu.memref_slice %arg2[%dma_start3A_125, %dma_start3A_126] : memref<1008x128xf32, #tpu.memory_space<hbm>> -> memref<1008x128xf32, #tpu.memory_space<hbm>>
      tpu.enqueue_indirect_dma source(%dma_start3A_127 : memref<1008x128xf32, #tpu.memory_space<hbm>>) target(%dma_start3A_123 : memref<64x128xf32, #tpu.memory_space<vmem>>) offsets(%dma_start3A_124 : memref<64xi32, #tpu.memory_space<vmem>>) semaphore(%arg12 : memref<!tpu.dma_semaphore, #tpu.memory_space<semaphore_mem>>)
      %dma_start3A_128 = arith.constant 0 : i32
      %dma_start3A_129 = arith.constant 0 : i32
      %dma_start3A_130 = arith.constant 0 : i32
      %dma_start3A_131 = tpu.memref_slice %arg11[%dma_start3A_128, %dma_start3A_129, %dma_start3A_130] : memref<4x64x256xf32, #tpu.memory_space<vmem>> -> memref<1x64x256xf32, #tpu.memory_space<vmem>>
      %dma_start3A_132 = tpu.memref_squeeze %dma_start3A_131 : memref<1x64x256xf32, #tpu.memory_space<vmem>> -> memref<64x256xf32, #tpu.memory_space<vmem>>
      %dma_start3A_133 = tpu.memref_slice %arg9[%mul3A_119] : memref<6400xi32, #tpu.memory_space<vmem>> -> memref<64xi32, #tpu.memory_space<vmem>>
      %dma_start3A_134 = arith.constant 0 : i32
      %dma_start3A_135 = arith.constant 0 : i32
      %dma_start3A_136 = tpu.memref_slice %arg3[%dma_start3A_134, %dma_start3A_135] : memref<2008x256xf32, #tpu.memory_space<hbm>> -> memref<2008x256xf32, #tpu.memory_space<hbm>>
      tpu.enqueue_indirect_dma source(%dma_start3A_136 : memref<2008x256xf32, #tpu.memory_space<hbm>>) target(%dma_start3A_132 : memref<64x256xf32, #tpu.memory_space<vmem>>) offsets(%dma_start3A_133 : memref<64xi32, #tpu.memory_space<vmem>>) semaphore(%arg16 : memref<!tpu.dma_semaphore, #tpu.memory_space<semaphore_mem>>)
      %mul3A_137 = arith.constant 4 : i32
      %mul3A_138 = arith.muli %scan3A_111, %mul3A_137 : i32
      %add3A_139 = arith.constant 1 : i32
      %add3A_140 = arith.addi %mul3A_138, %add3A_139 : i32
      %gt3A_141 = arith.constant 0 : i32
      %gt3A_142 = arith.cmpi sgt, %scan3A_111, %gt3A_141 : i32
      %convert_element_type3A_143 = arith.extui %gt3A_142 : i1 to i32
      %cond3A_144 = arith.constant 0 : i32
      %cond3A_145 = arith.cmpi ne, %convert_element_type3A_143, %cond3A_144 : i32
      scf.if %cond3A_145 {
        %dma_wait3A_440 = arith.constant 1 : i32
        %dma_wait3A_441 = arith.constant 0 : i32
        %dma_wait3A_442 = arith.constant 0 : i32
        %dma_wait3A_443 = tpu.memref_slice %arg10[%dma_wait3A_440, %dma_wait3A_441, %dma_wait3A_442] : memref<4x64x128xf32, #tpu.memory_space<vmem>> -> memref<1x64x128xf32, #tpu.memory_space<vmem>>
        %dma_wait3A_444 = tpu.memref_squeeze %dma_wait3A_443 : memref<1x64x128xf32, #tpu.memory_space<vmem>> -> memref<64x128xf32, #tpu.memory_space<vmem>>
        %dma_wait3A_445 = arith.constant 0 : i32
        %dma_wait3A_446 = tpu.memref_slice %arg6[%mul3A_2, %dma_wait3A_445] : memref<204800x128xf32, #tpu.memory_space<hbm>> -> memref<64x128xf32, #tpu.memory_space<hbm>>
        %dma_wait3A_447 = arith.constant 0 : i32
        %dma_wait3A_448 = tpu.memref_slice %arg6[%mul3A_2, %dma_wait3A_447] : memref<204800x128xf32, #tpu.memory_space<hbm>> -> memref<64x128xf32, #tpu.memory_space<hbm>>
        %dma_wait3A_449 = arith.constant 0 : i32
        %dma_wait3A_450 = arith.constant 0 : i32
        %dma_wait3A_451 = tpu.memref_slice %arg10[%dma_wait3A_440, %dma_wait3A_449, %dma_wait3A_450] : memref<4x64x128xf32, #tpu.memory_space<vmem>> -> memref<1x64x128xf32, #tpu.memory_space<vmem>>
        %dma_wait3A_452 = tpu.memref_squeeze %dma_wait3A_451 : memref<1x64x128xf32, #tpu.memory_space<vmem>> -> memref<64x128xf32, #tpu.memory_space<vmem>>
        tpu.wait_dma2 semaphore(%arg21 : memref<!tpu.dma_semaphore, #tpu.memory_space<semaphore_mem>>) src(%dma_wait3A_452 : memref<64x128xf32, #tpu.memory_space<vmem>>) dst(%dma_wait3A_448 : memref<64x128xf32, #tpu.memory_space<hbm>>)
        %dma_wait3A_453 = arith.constant 1 : i32
        %dma_wait3A_454 = arith.constant 0 : i32
        %dma_wait3A_455 = arith.constant 0 : i32
        %dma_wait3A_456 = tpu.memref_slice %arg11[%dma_wait3A_453, %dma_wait3A_454, %dma_wait3A_455] : memref<4x64x256xf32, #tpu.memory_space<vmem>> -> memref<1x64x256xf32, #tpu.memory_space<vmem>>
        %dma_wait3A_457 = tpu.memref_squeeze %dma_wait3A_456 : memref<1x64x256xf32, #tpu.memory_space<vmem>> -> memref<64x256xf32, #tpu.memory_space<vmem>>
        %dma_wait3A_458 = arith.constant 0 : i32
        %dma_wait3A_459 = tpu.memref_slice %arg7[%mul3A_2, %dma_wait3A_458] : memref<204800x256xf32, #tpu.memory_space<hbm>> -> memref<64x256xf32, #tpu.memory_space<hbm>>
        %dma_wait3A_460 = arith.constant 0 : i32
        %dma_wait3A_461 = tpu.memref_slice %arg7[%mul3A_2, %dma_wait3A_460] : memref<204800x256xf32, #tpu.memory_space<hbm>> -> memref<64x256xf32, #tpu.memory_space<hbm>>
        %dma_wait3A_462 = arith.constant 0 : i32
        %dma_wait3A_463 = arith.constant 0 : i32
        %dma_wait3A_464 = tpu.memref_slice %arg11[%dma_wait3A_453, %dma_wait3A_462, %dma_wait3A_463] : memref<4x64x256xf32, #tpu.memory_space<vmem>> -> memref<1x64x256xf32, #tpu.memory_space<vmem>>
        %dma_wait3A_465 = tpu.memref_squeeze %dma_wait3A_464 : memref<1x64x256xf32, #tpu.memory_space<vmem>> -> memref<64x256xf32, #tpu.memory_space<vmem>>
        tpu.wait_dma2 semaphore(%arg25 : memref<!tpu.dma_semaphore, #tpu.memory_space<semaphore_mem>>) src(%dma_wait3A_465 : memref<64x256xf32, #tpu.memory_space<vmem>>) dst(%dma_wait3A_461 : memref<64x256xf32, #tpu.memory_space<hbm>>)
      } else {
      }
      %mul3A_146 = arith.constant 64 : i32
      %mul3A_147 = arith.muli %add3A_140, %mul3A_146 : i32
      %dma_start3A_148 = arith.constant 1 : i32
      %dma_start3A_149 = arith.constant 0 : i32
      %dma_start3A_150 = arith.constant 0 : i32
      %dma_start3A_151 = tpu.memref_slice %arg10[%dma_start3A_148, %dma_start3A_149, %dma_start3A_150] : memref<4x64x128xf32, #tpu.memory_space<vmem>> -> memref<1x64x128xf32, #tpu.memory_space<vmem>>
      %dma_start3A_152 = tpu.memref_squeeze %dma_start3A_151 : memref<1x64x128xf32, #tpu.memory_space<vmem>> -> memref<64x128xf32, #tpu.memory_space<vmem>>
      %dma_start3A_153 = tpu.memref_slice %arg8[%mul3A_147] : memref<6400xi32, #tpu.memory_space<vmem>> -> memref<64xi32, #tpu.memory_space<vmem>>
      %dma_start3A_154 = arith.constant 0 : i32
      %dma_start3A_155 = arith.constant 0 : i32
      %dma_start3A_156 = tpu.memref_slice %arg2[%dma_start3A_154, %dma_start3A_155] : memref<1008x128xf32, #tpu.memory_space<hbm>> -> memref<1008x128xf32, #tpu.memory_space<hbm>>
      tpu.enqueue_indirect_dma source(%dma_start3A_156 : memref<1008x128xf32, #tpu.memory_space<hbm>>) target(%dma_start3A_152 : memref<64x128xf32, #tpu.memory_space<vmem>>) offsets(%dma_start3A_153 : memref<64xi32, #tpu.memory_space<vmem>>) semaphore(%arg13 : memref<!tpu.dma_semaphore, #tpu.memory_space<semaphore_mem>>)
      %dma_start3A_157 = arith.constant 1 : i32
      %dma_start3A_158 = arith.constant 0 : i32
      %dma_start3A_159 = arith.constant 0 : i32
      %dma_start3A_160 = tpu.memref_slice %arg11[%dma_start3A_157, %dma_start3A_158, %dma_start3A_159] : memref<4x64x256xf32, #tpu.memory_space<vmem>> -> memref<1x64x256xf32, #tpu.memory_space<vmem>>
      %dma_start3A_161 = tpu.memref_squeeze %dma_start3A_160 : memref<1x64x256xf32, #tpu.memory_space<vmem>> -> memref<64x256xf32, #tpu.memory_space<vmem>>
      %dma_start3A_162 = tpu.memref_slice %arg9[%mul3A_147] : memref<6400xi32, #tpu.memory_space<vmem>> -> memref<64xi32, #tpu.memory_space<vmem>>
      %dma_start3A_163 = arith.constant 0 : i32
      %dma_start3A_164 = arith.constant 0 : i32
      %dma_start3A_165 = tpu.memref_slice %arg3[%dma_start3A_163, %dma_start3A_164] : memref<2008x256xf32, #tpu.memory_space<hbm>> -> memref<2008x256xf32, #tpu.memory_space<hbm>>
      tpu.enqueue_indirect_dma source(%dma_start3A_165 : memref<2008x256xf32, #tpu.memory_space<hbm>>) target(%dma_start3A_161 : memref<64x256xf32, #tpu.memory_space<vmem>>) offsets(%dma_start3A_162 : memref<64xi32, #tpu.memory_space<vmem>>) semaphore(%arg17 : memref<!tpu.dma_semaphore, #tpu.memory_space<semaphore_mem>>)
      %mul3A_166 = arith.constant 4 : i32
      %mul3A_167 = arith.muli %scan3A_111, %mul3A_166 : i32
      %add3A_168 = arith.constant 2 : i32
      %add3A_169 = arith.addi %mul3A_167, %add3A_168 : i32
      %gt3A_170 = arith.constant 0 : i32
      %gt3A_171 = arith.cmpi sgt, %scan3A_111, %gt3A_170 : i32
      %convert_element_type3A_172 = arith.extui %gt3A_171 : i1 to i32
      %cond3A_173 = arith.constant 0 : i32
      %cond3A_174 = arith.cmpi ne, %convert_element_type3A_172, %cond3A_173 : i32
      scf.if %cond3A_174 {
        %dma_wait3A_440 = arith.constant 2 : i32
        %dma_wait3A_441 = arith.constant 0 : i32
        %dma_wait3A_442 = arith.constant 0 : i32
        %dma_wait3A_443 = tpu.memref_slice %arg10[%dma_wait3A_440, %dma_wait3A_441, %dma_wait3A_442] : memref<4x64x128xf32, #tpu.memory_space<vmem>> -> memref<1x64x128xf32, #tpu.memory_space<vmem>>
        %dma_wait3A_444 = tpu.memref_squeeze %dma_wait3A_443 : memref<1x64x128xf32, #tpu.memory_space<vmem>> -> memref<64x128xf32, #tpu.memory_space<vmem>>
        %dma_wait3A_445 = arith.constant 0 : i32
        %dma_wait3A_446 = tpu.memref_slice %arg6[%mul3A_2, %dma_wait3A_445] : memref<204800x128xf32, #tpu.memory_space<hbm>> -> memref<64x128xf32, #tpu.memory_space<hbm>>
        %dma_wait3A_447 = arith.constant 0 : i32
        %dma_wait3A_448 = tpu.memref_slice %arg6[%mul3A_2, %dma_wait3A_447] : memref<204800x128xf32, #tpu.memory_space<hbm>> -> memref<64x128xf32, #tpu.memory_space<hbm>>
        %dma_wait3A_449 = arith.constant 0 : i32
        %dma_wait3A_450 = arith.constant 0 : i32
        %dma_wait3A_451 = tpu.memref_slice %arg10[%dma_wait3A_440, %dma_wait3A_449, %dma_wait3A_450] : memref<4x64x128xf32, #tpu.memory_space<vmem>> -> memref<1x64x128xf32, #tpu.memory_space<vmem>>
        %dma_wait3A_452 = tpu.memref_squeeze %dma_wait3A_451 : memref<1x64x128xf32, #tpu.memory_space<vmem>> -> memref<64x128xf32, #tpu.memory_space<vmem>>
        tpu.wait_dma2 semaphore(%arg22 : memref<!tpu.dma_semaphore, #tpu.memory_space<semaphore_mem>>) src(%dma_wait3A_452 : memref<64x128xf32, #tpu.memory_space<vmem>>) dst(%dma_wait3A_448 : memref<64x128xf32, #tpu.memory_space<hbm>>)
        %dma_wait3A_453 = arith.constant 2 : i32
        %dma_wait3A_454 = arith.constant 0 : i32
        %dma_wait3A_455 = arith.constant 0 : i32
        %dma_wait3A_456 = tpu.memref_slice %arg11[%dma_wait3A_453, %dma_wait3A_454, %dma_wait3A_455] : memref<4x64x256xf32, #tpu.memory_space<vmem>> -> memref<1x64x256xf32, #tpu.memory_space<vmem>>
        %dma_wait3A_457 = tpu.memref_squeeze %dma_wait3A_456 : memref<1x64x256xf32, #tpu.memory_space<vmem>> -> memref<64x256xf32, #tpu.memory_space<vmem>>
        %dma_wait3A_458 = arith.constant 0 : i32
        %dma_wait3A_459 = tpu.memref_slice %arg7[%mul3A_2, %dma_wait3A_458] : memref<204800x256xf32, #tpu.memory_space<hbm>> -> memref<64x256xf32, #tpu.memory_space<hbm>>
        %dma_wait3A_460 = arith.constant 0 : i32
        %dma_wait3A_461 = tpu.memref_slice %arg7[%mul3A_2, %dma_wait3A_460] : memref<204800x256xf32, #tpu.memory_space<hbm>> -> memref<64x256xf32, #tpu.memory_space<hbm>>
        %dma_wait3A_462 = arith.constant 0 : i32
        %dma_wait3A_463 = arith.constant 0 : i32
        %dma_wait3A_464 = tpu.memref_slice %arg11[%dma_wait3A_453, %dma_wait3A_462, %dma_wait3A_463] : memref<4x64x256xf32, #tpu.memory_space<vmem>> -> memref<1x64x256xf32, #tpu.memory_space<vmem>>
        %dma_wait3A_465 = tpu.memref_squeeze %dma_wait3A_464 : memref<1x64x256xf32, #tpu.memory_space<vmem>> -> memref<64x256xf32, #tpu.memory_space<vmem>>
        tpu.wait_dma2 semaphore(%arg26 : memref<!tpu.dma_semaphore, #tpu.memory_space<semaphore_mem>>) src(%dma_wait3A_465 : memref<64x256xf32, #tpu.memory_space<vmem>>) dst(%dma_wait3A_461 : memref<64x256xf32, #tpu.memory_space<hbm>>)
      } else {
      }
      %mul3A_175 = arith.constant 64 : i32
      %mul3A_176 = arith.muli %add3A_169, %mul3A_175 : i32
      %dma_start3A_177 = arith.constant 2 : i32
      %dma_start3A_178 = arith.constant 0 : i32
      %dma_start3A_179 = arith.constant 0 : i32
      %dma_start3A_180 = tpu.memref_slice %arg10[%dma_start3A_177, %dma_start3A_178, %dma_start3A_179] : memref<4x64x128xf32, #tpu.memory_space<vmem>> -> memref<1x64x128xf32, #tpu.memory_space<vmem>>
      %dma_start3A_181 = tpu.memref_squeeze %dma_start3A_180 : memref<1x64x128xf32, #tpu.memory_space<vmem>> -> memref<64x128xf32, #tpu.memory_space<vmem>>
      %dma_start3A_182 = tpu.memref_slice %arg8[%mul3A_176] : memref<6400xi32, #tpu.memory_space<vmem>> -> memref<64xi32, #tpu.memory_space<vmem>>
      %dma_start3A_183 = arith.constant 0 : i32
      %dma_start3A_184 = arith.constant 0 : i32
      %dma_start3A_185 = tpu.memref_slice %arg2[%dma_start3A_183, %dma_start3A_184] : memref<1008x128xf32, #tpu.memory_space<hbm>> -> memref<1008x128xf32, #tpu.memory_space<hbm>>
      tpu.enqueue_indirect_dma source(%dma_start3A_185 : memref<1008x128xf32, #tpu.memory_space<hbm>>) target(%dma_start3A_181 : memref<64x128xf32, #tpu.memory_space<vmem>>) offsets(%dma_start3A_182 : memref<64xi32, #tpu.memory_space<vmem>>) semaphore(%arg14 : memref<!tpu.dma_semaphore, #tpu.memory_space<semaphore_mem>>)
      %dma_start3A_186 = arith.constant 2 : i32
      %dma_start3A_187 = arith.constant 0 : i32
      %dma_start3A_188 = arith.constant 0 : i32
      %dma_start3A_189 = tpu.memref_slice %arg11[%dma_start3A_186, %dma_start3A_187, %dma_start3A_188] : memref<4x64x256xf32, #tpu.memory_space<vmem>> -> memref<1x64x256xf32, #tpu.memory_space<vmem>>
      %dma_start3A_190 = tpu.memref_squeeze %dma_start3A_189 : memref<1x64x256xf32, #tpu.memory_space<vmem>> -> memref<64x256xf32, #tpu.memory_space<vmem>>
      %dma_start3A_191 = tpu.memref_slice %arg9[%mul3A_176] : memref<6400xi32, #tpu.memory_space<vmem>> -> memref<64xi32, #tpu.memory_space<vmem>>
      %dma_start3A_192 = arith.constant 0 : i32
      %dma_start3A_193 = arith.constant 0 : i32
      %dma_start3A_194 = tpu.memref_slice %arg3[%dma_start3A_192, %dma_start3A_193] : memref<2008x256xf32, #tpu.memory_space<hbm>> -> memref<2008x256xf32, #tpu.memory_space<hbm>>
      tpu.enqueue_indirect_dma source(%dma_start3A_194 : memref<2008x256xf32, #tpu.memory_space<hbm>>) target(%dma_start3A_190 : memref<64x256xf32, #tpu.memory_space<vmem>>) offsets(%dma_start3A_191 : memref<64xi32, #tpu.memory_space<vmem>>) semaphore(%arg18 : memref<!tpu.dma_semaphore, #tpu.memory_space<semaphore_mem>>)
      %mul3A_195 = arith.constant 4 : i32
      %mul3A_196 = arith.muli %scan3A_111, %mul3A_195 : i32
      %add3A_197 = arith.constant 3 : i32
      %add3A_198 = arith.addi %mul3A_196, %add3A_197 : i32
      %gt3A_199 = arith.constant 0 : i32
      %gt3A_200 = arith.cmpi sgt, %scan3A_111, %gt3A_199 : i32
      %convert_element_type3A_201 = arith.extui %gt3A_200 : i1 to i32
      %cond3A_202 = arith.constant 0 : i32
      %cond3A_203 = arith.cmpi ne, %convert_element_type3A_201, %cond3A_202 : i32
      scf.if %cond3A_203 {
        %dma_wait3A_440 = arith.constant 3 : i32
        %dma_wait3A_441 = arith.constant 0 : i32
        %dma_wait3A_442 = arith.constant 0 : i32
        %dma_wait3A_443 = tpu.memref_slice %arg10[%dma_wait3A_440, %dma_wait3A_441, %dma_wait3A_442] : memref<4x64x128xf32, #tpu.memory_space<vmem>> -> memref<1x64x128xf32, #tpu.memory_space<vmem>>
        %dma_wait3A_444 = tpu.memref_squeeze %dma_wait3A_443 : memref<1x64x128xf32, #tpu.memory_space<vmem>> -> memref<64x128xf32, #tpu.memory_space<vmem>>
        %dma_wait3A_445 = arith.constant 0 : i32
        %dma_wait3A_446 = tpu.memref_slice %arg6[%mul3A_2, %dma_wait3A_445] : memref<204800x128xf32, #tpu.memory_space<hbm>> -> memref<64x128xf32, #tpu.memory_space<hbm>>
        %dma_wait3A_447 = arith.constant 0 : i32
        %dma_wait3A_448 = tpu.memref_slice %arg6[%mul3A_2, %dma_wait3A_447] : memref<204800x128xf32, #tpu.memory_space<hbm>> -> memref<64x128xf32, #tpu.memory_space<hbm>>
        %dma_wait3A_449 = arith.constant 0 : i32
        %dma_wait3A_450 = arith.constant 0 : i32
        %dma_wait3A_451 = tpu.memref_slice %arg10[%dma_wait3A_440, %dma_wait3A_449, %dma_wait3A_450] : memref<4x64x128xf32, #tpu.memory_space<vmem>> -> memref<1x64x128xf32, #tpu.memory_space<vmem>>
        %dma_wait3A_452 = tpu.memref_squeeze %dma_wait3A_451 : memref<1x64x128xf32, #tpu.memory_space<vmem>> -> memref<64x128xf32, #tpu.memory_space<vmem>>
        tpu.wait_dma2 semaphore(%arg23 : memref<!tpu.dma_semaphore, #tpu.memory_space<semaphore_mem>>) src(%dma_wait3A_452 : memref<64x128xf32, #tpu.memory_space<vmem>>) dst(%dma_wait3A_448 : memref<64x128xf32, #tpu.memory_space<hbm>>)
        %dma_wait3A_453 = arith.constant 3 : i32
        %dma_wait3A_454 = arith.constant 0 : i32
        %dma_wait3A_455 = arith.constant 0 : i32
        %dma_wait3A_456 = tpu.memref_slice %arg11[%dma_wait3A_453, %dma_wait3A_454, %dma_wait3A_455] : memref<4x64x256xf32, #tpu.memory_space<vmem>> -> memref<1x64x256xf32, #tpu.memory_space<vmem>>
        %dma_wait3A_457 = tpu.memref_squeeze %dma_wait3A_456 : memref<1x64x256xf32, #tpu.memory_space<vmem>> -> memref<64x256xf32, #tpu.memory_space<vmem>>
        %dma_wait3A_458 = arith.constant 0 : i32
        %dma_wait3A_459 = tpu.memref_slice %arg7[%mul3A_2, %dma_wait3A_458] : memref<204800x256xf32, #tpu.memory_space<hbm>> -> memref<64x256xf32, #tpu.memory_space<hbm>>
        %dma_wait3A_460 = arith.constant 0 : i32
        %dma_wait3A_461 = tpu.memref_slice %arg7[%mul3A_2, %dma_wait3A_460] : memref<204800x256xf32, #tpu.memory_space<hbm>> -> memref<64x256xf32, #tpu.memory_space<hbm>>
        %dma_wait3A_462 = arith.constant 0 : i32
        %dma_wait3A_463 = arith.constant 0 : i32
        %dma_wait3A_464 = tpu.memref_slice %arg11[%dma_wait3A_453, %dma_wait3A_462, %dma_wait3A_463] : memref<4x64x256xf32, #tpu.memory_space<vmem>> -> memref<1x64x256xf32, #tpu.memory_space<vmem>>
        %dma_wait3A_465 = tpu.memref_squeeze %dma_wait3A_464 : memref<1x64x256xf32, #tpu.memory_space<vmem>> -> memref<64x256xf32, #tpu.memory_space<vmem>>
        tpu.wait_dma2 semaphore(%arg27 : memref<!tpu.dma_semaphore, #tpu.memory_space<semaphore_mem>>) src(%dma_wait3A_465 : memref<64x256xf32, #tpu.memory_space<vmem>>) dst(%dma_wait3A_461 : memref<64x256xf32, #tpu.memory_space<hbm>>)
      } else {
      }
      %mul3A_204 = arith.constant 64 : i32
      %mul3A_205 = arith.muli %add3A_198, %mul3A_204 : i32
      %dma_start3A_206 = arith.constant 3 : i32
      %dma_start3A_207 = arith.constant 0 : i32
      %dma_start3A_208 = arith.constant 0 : i32
      %dma_start3A_209 = tpu.memref_slice %arg10[%dma_start3A_206, %dma_start3A_207, %dma_start3A_208] : memref<4x64x128xf32, #tpu.memory_space<vmem>> -> memref<1x64x128xf32, #tpu.memory_space<vmem>>
      %dma_start3A_210 = tpu.memref_squeeze %dma_start3A_209 : memref<1x64x128xf32, #tpu.memory_space<vmem>> -> memref<64x128xf32, #tpu.memory_space<vmem>>
      %dma_start3A_211 = tpu.memref_slice %arg8[%mul3A_205] : memref<6400xi32, #tpu.memory_space<vmem>> -> memref<64xi32, #tpu.memory_space<vmem>>
      %dma_start3A_212 = arith.constant 0 : i32
      %dma_start3A_213 = arith.constant 0 : i32
      %dma_start3A_214 = tpu.memref_slice %arg2[%dma_start3A_212, %dma_start3A_213] : memref<1008x128xf32, #tpu.memory_space<hbm>> -> memref<1008x128xf32, #tpu.memory_space<hbm>>
      tpu.enqueue_indirect_dma source(%dma_start3A_214 : memref<1008x128xf32, #tpu.memory_space<hbm>>) target(%dma_start3A_210 : memref<64x128xf32, #tpu.memory_space<vmem>>) offsets(%dma_start3A_211 : memref<64xi32, #tpu.memory_space<vmem>>) semaphore(%arg15 : memref<!tpu.dma_semaphore, #tpu.memory_space<semaphore_mem>>)
      %dma_start3A_215 = arith.constant 3 : i32
      %dma_start3A_216 = arith.constant 0 : i32
      %dma_start3A_217 = arith.constant 0 : i32
      %dma_start3A_218 = tpu.memref_slice %arg11[%dma_start3A_215, %dma_start3A_216, %dma_start3A_217] : memref<4x64x256xf32, #tpu.memory_space<vmem>> -> memref<1x64x256xf32, #tpu.memory_space<vmem>>
      %dma_start3A_219 = tpu.memref_squeeze %dma_start3A_218 : memref<1x64x256xf32, #tpu.memory_space<vmem>> -> memref<64x256xf32, #tpu.memory_space<vmem>>
      %dma_start3A_220 = tpu.memref_slice %arg9[%mul3A_205] : memref<6400xi32, #tpu.memory_space<vmem>> -> memref<64xi32, #tpu.memory_space<vmem>>
      %dma_start3A_221 = arith.constant 0 : i32
      %dma_start3A_222 = arith.constant 0 : i32
      %dma_start3A_223 = tpu.memref_slice %arg3[%dma_start3A_221, %dma_start3A_222] : memref<2008x256xf32, #tpu.memory_space<hbm>> -> memref<2008x256xf32, #tpu.memory_space<hbm>>
      tpu.enqueue_indirect_dma source(%dma_start3A_223 : memref<2008x256xf32, #tpu.memory_space<hbm>>) target(%dma_start3A_219 : memref<64x256xf32, #tpu.memory_space<vmem>>) offsets(%dma_start3A_220 : memref<64xi32, #tpu.memory_space<vmem>>) semaphore(%arg19 : memref<!tpu.dma_semaphore, #tpu.memory_space<semaphore_mem>>)
      %mul3A_224 = arith.constant 4 : i32
      %mul3A_225 = arith.muli %scan3A_111, %mul3A_224 : i32
      %add3A_226 = arith.constant 0 : i32
      %add3A_227 = arith.addi %mul3A_225, %add3A_226 : i32
      %dma_wait3A_228 = arith.constant 0 : i32
      %dma_wait3A_229 = arith.constant 0 : i32
      %dma_wait3A_230 = arith.constant 0 : i32
      %dma_wait3A_231 = tpu.memref_slice %arg10[%dma_wait3A_228, %dma_wait3A_229, %dma_wait3A_230] : memref<4x64x128xf32, #tpu.memory_space<vmem>> -> memref<1x64x128xf32, #tpu.memory_space<vmem>>
      %dma_wait3A_232 = tpu.memref_squeeze %dma_wait3A_231 : memref<1x64x128xf32, #tpu.memory_space<vmem>> -> memref<64x128xf32, #tpu.memory_space<vmem>>
      %dma_wait3A_233 = tpu.memref_slice %arg8[%mul3A_119] : memref<6400xi32, #tpu.memory_space<vmem>> -> memref<64xi32, #tpu.memory_space<vmem>>
      %dma_wait3A_234 = arith.constant 0 : i32
      %dma_wait3A_235 = arith.constant 0 : i32
      %dma_wait3A_236 = tpu.memref_slice %arg2[%dma_wait3A_234, %dma_wait3A_235] : memref<1008x128xf32, #tpu.memory_space<hbm>> -> memref<1008x128xf32, #tpu.memory_space<hbm>>
      tpu.wait_indirect_dma semaphore(%arg12 : memref<!tpu.dma_semaphore, #tpu.memory_space<semaphore_mem>>) src(%dma_wait3A_236 : memref<1008x128xf32, #tpu.memory_space<hbm>>) dst(%dma_wait3A_232 : memref<64x128xf32, #tpu.memory_space<vmem>>)
      %mul3A_237 = arith.constant 64 : i32
      %mul3A_238 = arith.muli %add3A_227, %mul3A_237 : i32
      %add3A_239 = arith.addi %mul3A_2, %mul3A_238 : i32
      %dma_start3A_240 = arith.constant 0 : i32
      %dma_start3A_241 = arith.constant 0 : i32
      %dma_start3A_242 = arith.constant 0 : i32
      %dma_start3A_243 = tpu.memref_slice %arg10[%dma_start3A_240, %dma_start3A_241, %dma_start3A_242] : memref<4x64x128xf32, #tpu.memory_space<vmem>> -> memref<1x64x128xf32, #tpu.memory_space<vmem>>
      %dma_start3A_244 = tpu.memref_squeeze %dma_start3A_243 : memref<1x64x128xf32, #tpu.memory_space<vmem>> -> memref<64x128xf32, #tpu.memory_space<vmem>>
      %dma_start3A_245 = arith.constant 0 : i32
      %dma_start3A_246 = tpu.memref_slice %arg6[%add3A_239, %dma_start3A_245] : memref<204800x128xf32, #tpu.memory_space<hbm>> -> memref<64x128xf32, #tpu.memory_space<hbm>>
      %dma_start3A_247 = arith.constant 0 : i32
      %dma_start3A_248 = tpu.memref_slice %arg6[%add3A_239, %dma_start3A_247] : memref<204800x128xf32, #tpu.memory_space<hbm>> -> memref<64x128xf32, #tpu.memory_space<hbm>>
      %dma_start3A_249 = arith.constant 0 : i32
      %dma_start3A_250 = arith.constant 0 : i32
      %dma_start3A_251 = tpu.memref_slice %arg10[%dma_start3A_240, %dma_start3A_249, %dma_start3A_250] : memref<4x64x128xf32, #tpu.memory_space<vmem>> -> memref<1x64x128xf32, #tpu.memory_space<vmem>>
      %dma_start3A_252 = tpu.memref_squeeze %dma_start3A_251 : memref<1x64x128xf32, #tpu.memory_space<vmem>> -> memref<64x128xf32, #tpu.memory_space<vmem>>
      tpu.enqueue_dma source(%dma_start3A_252 : memref<64x128xf32, #tpu.memory_space<vmem>>) target(%dma_start3A_248 : memref<64x128xf32, #tpu.memory_space<hbm>>) target_semaphore(%arg20 : memref<!tpu.dma_semaphore, #tpu.memory_space<semaphore_mem>>)
      %dma_wait3A_253 = arith.constant 0 : i32
      %dma_wait3A_254 = arith.constant 0 : i32
      %dma_wait3A_255 = arith.constant 0 : i32
      %dma_wait3A_256 = tpu.memref_slice %arg11[%dma_wait3A_253, %dma_wait3A_254, %dma_wait3A_255] : memref<4x64x256xf32, #tpu.memory_space<vmem>> -> memref<1x64x256xf32, #tpu.memory_space<vmem>>
      %dma_wait3A_257 = tpu.memref_squeeze %dma_wait3A_256 : memref<1x64x256xf32, #tpu.memory_space<vmem>> -> memref<64x256xf32, #tpu.memory_space<vmem>>
      %dma_wait3A_258 = tpu.memref_slice %arg9[%mul3A_119] : memref<6400xi32, #tpu.memory_space<vmem>> -> memref<64xi32, #tpu.memory_space<vmem>>
      %dma_wait3A_259 = arith.constant 0 : i32
      %dma_wait3A_260 = arith.constant 0 : i32
      %dma_wait3A_261 = tpu.memref_slice %arg3[%dma_wait3A_259, %dma_wait3A_260] : memref<2008x256xf32, #tpu.memory_space<hbm>> -> memref<2008x256xf32, #tpu.memory_space<hbm>>
      tpu.wait_indirect_dma semaphore(%arg16 : memref<!tpu.dma_semaphore, #tpu.memory_space<semaphore_mem>>) src(%dma_wait3A_261 : memref<2008x256xf32, #tpu.memory_space<hbm>>) dst(%dma_wait3A_257 : memref<64x256xf32, #tpu.memory_space<vmem>>)
      %mul3A_262 = arith.constant 64 : i32
      %mul3A_263 = arith.muli %add3A_227, %mul3A_262 : i32
      %add3A_264 = arith.addi %mul3A_2, %mul3A_263 : i32
      %dma_start3A_265 = arith.constant 0 : i32
      %dma_start3A_266 = arith.constant 0 : i32
      %dma_start3A_267 = arith.constant 0 : i32
      %dma_start3A_268 = tpu.memref_slice %arg11[%dma_start3A_265, %dma_start3A_266, %dma_start3A_267] : memref<4x64x256xf32, #tpu.memory_space<vmem>> -> memref<1x64x256xf32, #tpu.memory_space<vmem>>
      %dma_start3A_269 = tpu.memref_squeeze %dma_start3A_268 : memref<1x64x256xf32, #tpu.memory_space<vmem>> -> memref<64x256xf32, #tpu.memory_space<vmem>>
      %dma_start3A_270 = arith.constant 0 : i32
      %dma_start3A_271 = tpu.memref_slice %arg7[%add3A_264, %dma_start3A_270] : memref<204800x256xf32, #tpu.memory_space<hbm>> -> memref<64x256xf32, #tpu.memory_space<hbm>>
      %dma_start3A_272 = arith.constant 0 : i32
      %dma_start3A_273 = tpu.memref_slice %arg7[%add3A_264, %dma_start3A_272] : memref<204800x256xf32, #tpu.memory_space<hbm>> -> memref<64x256xf32, #tpu.memory_space<hbm>>
      %dma_start3A_274 = arith.constant 0 : i32
      %dma_start3A_275 = arith.constant 0 : i32
      %dma_start3A_276 = tpu.memref_slice %arg11[%dma_start3A_265, %dma_start3A_274, %dma_start3A_275] : memref<4x64x256xf32, #tpu.memory_space<vmem>> -> memref<1x64x256xf32, #tpu.memory_space<vmem>>
      %dma_start3A_277 = tpu.memref_squeeze %dma_start3A_276 : memref<1x64x256xf32, #tpu.memory_space<vmem>> -> memref<64x256xf32, #tpu.memory_space<vmem>>
      tpu.enqueue_dma source(%dma_start3A_277 : memref<64x256xf32, #tpu.memory_space<vmem>>) target(%dma_start3A_273 : memref<64x256xf32, #tpu.memory_space<hbm>>) target_semaphore(%arg24 : memref<!tpu.dma_semaphore, #tpu.memory_space<semaphore_mem>>)
      %mul3A_278 = arith.constant 4 : i32
      %mul3A_279 = arith.muli %scan3A_111, %mul3A_278 : i32
      %add3A_280 = arith.constant 1 : i32
      %add3A_281 = arith.addi %mul3A_279, %add3A_280 : i32
      %dma_wait3A_282 = arith.constant 1 : i32
      %dma_wait3A_283 = arith.constant 0 : i32
      %dma_wait3A_284 = arith.constant 0 : i32
      %dma_wait3A_285 = tpu.memref_slice %arg10[%dma_wait3A_282, %dma_wait3A_283, %dma_wait3A_284] : memref<4x64x128xf32, #tpu.memory_space<vmem>> -> memref<1x64x128xf32, #tpu.memory_space<vmem>>
      %dma_wait3A_286 = tpu.memref_squeeze %dma_wait3A_285 : memref<1x64x128xf32, #tpu.memory_space<vmem>> -> memref<64x128xf32, #tpu.memory_space<vmem>>
      %dma_wait3A_287 = tpu.memref_slice %arg8[%mul3A_147] : memref<6400xi32, #tpu.memory_space<vmem>> -> memref<64xi32, #tpu.memory_space<vmem>>
      %dma_wait3A_288 = arith.constant 0 : i32
      %dma_wait3A_289 = arith.constant 0 : i32
      %dma_wait3A_290 = tpu.memref_slice %arg2[%dma_wait3A_288, %dma_wait3A_289] : memref<1008x128xf32, #tpu.memory_space<hbm>> -> memref<1008x128xf32, #tpu.memory_space<hbm>>
      tpu.wait_indirect_dma semaphore(%arg13 : memref<!tpu.dma_semaphore, #tpu.memory_space<semaphore_mem>>) src(%dma_wait3A_290 : memref<1008x128xf32, #tpu.memory_space<hbm>>) dst(%dma_wait3A_286 : memref<64x128xf32, #tpu.memory_space<vmem>>)
      %mul3A_291 = arith.constant 64 : i32
      %mul3A_292 = arith.muli %add3A_281, %mul3A_291 : i32
      %add3A_293 = arith.addi %mul3A_2, %mul3A_292 : i32
      %dma_start3A_294 = arith.constant 1 : i32
      %dma_start3A_295 = arith.constant 0 : i32
      %dma_start3A_296 = arith.constant 0 : i32
      %dma_start3A_297 = tpu.memref_slice %arg10[%dma_start3A_294, %dma_start3A_295, %dma_start3A_296] : memref<4x64x128xf32, #tpu.memory_space<vmem>> -> memref<1x64x128xf32, #tpu.memory_space<vmem>>
      %dma_start3A_298 = tpu.memref_squeeze %dma_start3A_297 : memref<1x64x128xf32, #tpu.memory_space<vmem>> -> memref<64x128xf32, #tpu.memory_space<vmem>>
      %dma_start3A_299 = arith.constant 0 : i32
      %dma_start3A_300 = tpu.memref_slice %arg6[%add3A_293, %dma_start3A_299] : memref<204800x128xf32, #tpu.memory_space<hbm>> -> memref<64x128xf32, #tpu.memory_space<hbm>>
      %dma_start3A_301 = arith.constant 0 : i32
      %dma_start3A_302 = tpu.memref_slice %arg6[%add3A_293, %dma_start3A_301] : memref<204800x128xf32, #tpu.memory_space<hbm>> -> memref<64x128xf32, #tpu.memory_space<hbm>>
      %dma_start3A_303 = arith.constant 0 : i32
      %dma_start3A_304 = arith.constant 0 : i32
      %dma_start3A_305 = tpu.memref_slice %arg10[%dma_start3A_294, %dma_start3A_303, %dma_start3A_304] : memref<4x64x128xf32, #tpu.memory_space<vmem>> -> memref<1x64x128xf32, #tpu.memory_space<vmem>>
      %dma_start3A_306 = tpu.memref_squeeze %dma_start3A_305 : memref<1x64x128xf32, #tpu.memory_space<vmem>> -> memref<64x128xf32, #tpu.memory_space<vmem>>
      tpu.enqueue_dma source(%dma_start3A_306 : memref<64x128xf32, #tpu.memory_space<vmem>>) target(%dma_start3A_302 : memref<64x128xf32, #tpu.memory_space<hbm>>) target_semaphore(%arg21 : memref<!tpu.dma_semaphore, #tpu.memory_space<semaphore_mem>>)
      %dma_wait3A_307 = arith.constant 1 : i32
      %dma_wait3A_308 = arith.constant 0 : i32
      %dma_wait3A_309 = arith.constant 0 : i32
      %dma_wait3A_310 = tpu.memref_slice %arg11[%dma_wait3A_307, %dma_wait3A_308, %dma_wait3A_309] : memref<4x64x256xf32, #tpu.memory_space<vmem>> -> memref<1x64x256xf32, #tpu.memory_space<vmem>>
      %dma_wait3A_311 = tpu.memref_squeeze %dma_wait3A_310 : memref<1x64x256xf32, #tpu.memory_space<vmem>> -> memref<64x256xf32, #tpu.memory_space<vmem>>
      %dma_wait3A_312 = tpu.memref_slice %arg9[%mul3A_147] : memref<6400xi32, #tpu.memory_space<vmem>> -> memref<64xi32, #tpu.memory_space<vmem>>
      %dma_wait3A_313 = arith.constant 0 : i32
      %dma_wait3A_314 = arith.constant 0 : i32
      %dma_wait3A_315 = tpu.memref_slice %arg3[%dma_wait3A_313, %dma_wait3A_314] : memref<2008x256xf32, #tpu.memory_space<hbm>> -> memref<2008x256xf32, #tpu.memory_space<hbm>>
      tpu.wait_indirect_dma semaphore(%arg17 : memref<!tpu.dma_semaphore, #tpu.memory_space<semaphore_mem>>) src(%dma_wait3A_315 : memref<2008x256xf32, #tpu.memory_space<hbm>>) dst(%dma_wait3A_311 : memref<64x256xf32, #tpu.memory_space<vmem>>)
      %mul3A_316 = arith.constant 64 : i32
      %mul3A_317 = arith.muli %add3A_281, %mul3A_316 : i32
      %add3A_318 = arith.addi %mul3A_2, %mul3A_317 : i32
      %dma_start3A_319 = arith.constant 1 : i32
      %dma_start3A_320 = arith.constant 0 : i32
      %dma_start3A_321 = arith.constant 0 : i32
      %dma_start3A_322 = tpu.memref_slice %arg11[%dma_start3A_319, %dma_start3A_320, %dma_start3A_321] : memref<4x64x256xf32, #tpu.memory_space<vmem>> -> memref<1x64x256xf32, #tpu.memory_space<vmem>>
      %dma_start3A_323 = tpu.memref_squeeze %dma_start3A_322 : memref<1x64x256xf32, #tpu.memory_space<vmem>> -> memref<64x256xf32, #tpu.memory_space<vmem>>
      %dma_start3A_324 = arith.constant 0 : i32
      %dma_start3A_325 = tpu.memref_slice %arg7[%add3A_318, %dma_start3A_324] : memref<204800x256xf32, #tpu.memory_space<hbm>> -> memref<64x256xf32, #tpu.memory_space<hbm>>
      %dma_start3A_326 = arith.constant 0 : i32
      %dma_start3A_327 = tpu.memref_slice %arg7[%add3A_318, %dma_start3A_326] : memref<204800x256xf32, #tpu.memory_space<hbm>> -> memref<64x256xf32, #tpu.memory_space<hbm>>
      %dma_start3A_328 = arith.constant 0 : i32
      %dma_start3A_329 = arith.constant 0 : i32
      %dma_start3A_330 = tpu.memref_slice %arg11[%dma_start3A_319, %dma_start3A_328, %dma_start3A_329] : memref<4x64x256xf32, #tpu.memory_space<vmem>> -> memref<1x64x256xf32, #tpu.memory_space<vmem>>
      %dma_start3A_331 = tpu.memref_squeeze %dma_start3A_330 : memref<1x64x256xf32, #tpu.memory_space<vmem>> -> memref<64x256xf32, #tpu.memory_space<vmem>>
      tpu.enqueue_dma source(%dma_start3A_331 : memref<64x256xf32, #tpu.memory_space<vmem>>) target(%dma_start3A_327 : memref<64x256xf32, #tpu.memory_space<hbm>>) target_semaphore(%arg25 : memref<!tpu.dma_semaphore, #tpu.memory_space<semaphore_mem>>)
      %mul3A_332 = arith.constant 4 : i32
      %mul3A_333 = arith.muli %scan3A_111, %mul3A_332 : i32
      %add3A_334 = arith.constant 2 : i32
      %add3A_335 = arith.addi %mul3A_333, %add3A_334 : i32
      %dma_wait3A_336 = arith.constant 2 : i32
      %dma_wait3A_337 = arith.constant 0 : i32
      %dma_wait3A_338 = arith.constant 0 : i32
      %dma_wait3A_339 = tpu.memref_slice %arg10[%dma_wait3A_336, %dma_wait3A_337, %dma_wait3A_338] : memref<4x64x128xf32, #tpu.memory_space<vmem>> -> memref<1x64x128xf32, #tpu.memory_space<vmem>>
      %dma_wait3A_340 = tpu.memref_squeeze %dma_wait3A_339 : memref<1x64x128xf32, #tpu.memory_space<vmem>> -> memref<64x128xf32, #tpu.memory_space<vmem>>
      %dma_wait3A_341 = tpu.memref_slice %arg8[%mul3A_176] : memref<6400xi32, #tpu.memory_space<vmem>> -> memref<64xi32, #tpu.memory_space<vmem>>
      %dma_wait3A_342 = arith.constant 0 : i32
      %dma_wait3A_343 = arith.constant 0 : i32
      %dma_wait3A_344 = tpu.memref_slice %arg2[%dma_wait3A_342, %dma_wait3A_343] : memref<1008x128xf32, #tpu.memory_space<hbm>> -> memref<1008x128xf32, #tpu.memory_space<hbm>>
      tpu.wait_indirect_dma semaphore(%arg14 : memref<!tpu.dma_semaphore, #tpu.memory_space<semaphore_mem>>) src(%dma_wait3A_344 : memref<1008x128xf32, #tpu.memory_space<hbm>>) dst(%dma_wait3A_340 : memref<64x128xf32, #tpu.memory_space<vmem>>)
      %mul3A_345 = arith.constant 64 : i32
      %mul3A_346 = arith.muli %add3A_335, %mul3A_345 : i32
      %add3A_347 = arith.addi %mul3A_2, %mul3A_346 : i32
      %dma_start3A_348 = arith.constant 2 : i32
      %dma_start3A_349 = arith.constant 0 : i32
      %dma_start3A_350 = arith.constant 0 : i32
      %dma_start3A_351 = tpu.memref_slice %arg10[%dma_start3A_348, %dma_start3A_349, %dma_start3A_350] : memref<4x64x128xf32, #tpu.memory_space<vmem>> -> memref<1x64x128xf32, #tpu.memory_space<vmem>>
      %dma_start3A_352 = tpu.memref_squeeze %dma_start3A_351 : memref<1x64x128xf32, #tpu.memory_space<vmem>> -> memref<64x128xf32, #tpu.memory_space<vmem>>
      %dma_start3A_353 = arith.constant 0 : i32
      %dma_start3A_354 = tpu.memref_slice %arg6[%add3A_347, %dma_start3A_353] : memref<204800x128xf32, #tpu.memory_space<hbm>> -> memref<64x128xf32, #tpu.memory_space<hbm>>
      %dma_start3A_355 = arith.constant 0 : i32
      %dma_start3A_356 = tpu.memref_slice %arg6[%add3A_347, %dma_start3A_355] : memref<204800x128xf32, #tpu.memory_space<hbm>> -> memref<64x128xf32, #tpu.memory_space<hbm>>
      %dma_start3A_357 = arith.constant 0 : i32
      %dma_start3A_358 = arith.constant 0 : i32
      %dma_start3A_359 = tpu.memref_slice %arg10[%dma_start3A_348, %dma_start3A_357, %dma_start3A_358] : memref<4x64x128xf32, #tpu.memory_space<vmem>> -> memref<1x64x128xf32, #tpu.memory_space<vmem>>
      %dma_start3A_360 = tpu.memref_squeeze %dma_start3A_359 : memref<1x64x128xf32, #tpu.memory_space<vmem>> -> memref<64x128xf32, #tpu.memory_space<vmem>>
      tpu.enqueue_dma source(%dma_start3A_360 : memref<64x128xf32, #tpu.memory_space<vmem>>) target(%dma_start3A_356 : memref<64x128xf32, #tpu.memory_space<hbm>>) target_semaphore(%arg22 : memref<!tpu.dma_semaphore, #tpu.memory_space<semaphore_mem>>)
      %dma_wait3A_361 = arith.constant 2 : i32
      %dma_wait3A_362 = arith.constant 0 : i32
      %dma_wait3A_363 = arith.constant 0 : i32
      %dma_wait3A_364 = tpu.memref_slice %arg11[%dma_wait3A_361, %dma_wait3A_362, %dma_wait3A_363] : memref<4x64x256xf32, #tpu.memory_space<vmem>> -> memref<1x64x256xf32, #tpu.memory_space<vmem>>
      %dma_wait3A_365 = tpu.memref_squeeze %dma_wait3A_364 : memref<1x64x256xf32, #tpu.memory_space<vmem>> -> memref<64x256xf32, #tpu.memory_space<vmem>>
      %dma_wait3A_366 = tpu.memref_slice %arg9[%mul3A_176] : memref<6400xi32, #tpu.memory_space<vmem>> -> memref<64xi32, #tpu.memory_space<vmem>>
      %dma_wait3A_367 = arith.constant 0 : i32
      %dma_wait3A_368 = arith.constant 0 : i32
      %dma_wait3A_369 = tpu.memref_slice %arg3[%dma_wait3A_367, %dma_wait3A_368] : memref<2008x256xf32, #tpu.memory_space<hbm>> -> memref<2008x256xf32, #tpu.memory_space<hbm>>
      tpu.wait_indirect_dma semaphore(%arg18 : memref<!tpu.dma_semaphore, #tpu.memory_space<semaphore_mem>>) src(%dma_wait3A_369 : memref<2008x256xf32, #tpu.memory_space<hbm>>) dst(%dma_wait3A_365 : memref<64x256xf32, #tpu.memory_space<vmem>>)
      %mul3A_370 = arith.constant 64 : i32
      %mul3A_371 = arith.muli %add3A_335, %mul3A_370 : i32
      %add3A_372 = arith.addi %mul3A_2, %mul3A_371 : i32
      %dma_start3A_373 = arith.constant 2 : i32
      %dma_start3A_374 = arith.constant 0 : i32
      %dma_start3A_375 = arith.constant 0 : i32
      %dma_start3A_376 = tpu.memref_slice %arg11[%dma_start3A_373, %dma_start3A_374, %dma_start3A_375] : memref<4x64x256xf32, #tpu.memory_space<vmem>> -> memref<1x64x256xf32, #tpu.memory_space<vmem>>
      %dma_start3A_377 = tpu.memref_squeeze %dma_start3A_376 : memref<1x64x256xf32, #tpu.memory_space<vmem>> -> memref<64x256xf32, #tpu.memory_space<vmem>>
      %dma_start3A_378 = arith.constant 0 : i32
      %dma_start3A_379 = tpu.memref_slice %arg7[%add3A_372, %dma_start3A_378] : memref<204800x256xf32, #tpu.memory_space<hbm>> -> memref<64x256xf32, #tpu.memory_space<hbm>>
      %dma_start3A_380 = arith.constant 0 : i32
      %dma_start3A_381 = tpu.memref_slice %arg7[%add3A_372, %dma_start3A_380] : memref<204800x256xf32, #tpu.memory_space<hbm>> -> memref<64x256xf32, #tpu.memory_space<hbm>>
      %dma_start3A_382 = arith.constant 0 : i32
      %dma_start3A_383 = arith.constant 0 : i32
      %dma_start3A_384 = tpu.memref_slice %arg11[%dma_start3A_373, %dma_start3A_382, %dma_start3A_383] : memref<4x64x256xf32, #tpu.memory_space<vmem>> -> memref<1x64x256xf32, #tpu.memory_space<vmem>>
      %dma_start3A_385 = tpu.memref_squeeze %dma_start3A_384 : memref<1x64x256xf32, #tpu.memory_space<vmem>> -> memref<64x256xf32, #tpu.memory_space<vmem>>
      tpu.enqueue_dma source(%dma_start3A_385 : memref<64x256xf32, #tpu.memory_space<vmem>>) target(%dma_start3A_381 : memref<64x256xf32, #tpu.memory_space<hbm>>) target_semaphore(%arg26 : memref<!tpu.dma_semaphore, #tpu.memory_space<semaphore_mem>>)
      %mul3A_386 = arith.constant 4 : i32
      %mul3A_387 = arith.muli %scan3A_111, %mul3A_386 : i32
      %add3A_388 = arith.constant 3 : i32
      %add3A_389 = arith.addi %mul3A_387, %add3A_388 : i32
      %dma_wait3A_390 = arith.constant 3 : i32
      %dma_wait3A_391 = arith.constant 0 : i32
      %dma_wait3A_392 = arith.constant 0 : i32
      %dma_wait3A_393 = tpu.memref_slice %arg10[%dma_wait3A_390, %dma_wait3A_391, %dma_wait3A_392] : memref<4x64x128xf32, #tpu.memory_space<vmem>> -> memref<1x64x128xf32, #tpu.memory_space<vmem>>
      %dma_wait3A_394 = tpu.memref_squeeze %dma_wait3A_393 : memref<1x64x128xf32, #tpu.memory_space<vmem>> -> memref<64x128xf32, #tpu.memory_space<vmem>>
      %dma_wait3A_395 = tpu.memref_slice %arg8[%mul3A_205] : memref<6400xi32, #tpu.memory_space<vmem>> -> memref<64xi32, #tpu.memory_space<vmem>>
      %dma_wait3A_396 = arith.constant 0 : i32
      %dma_wait3A_397 = arith.constant 0 : i32
      %dma_wait3A_398 = tpu.memref_slice %arg2[%dma_wait3A_396, %dma_wait3A_397] : memref<1008x128xf32, #tpu.memory_space<hbm>> -> memref<1008x128xf32, #tpu.memory_space<hbm>>
      tpu.wait_indirect_dma semaphore(%arg15 : memref<!tpu.dma_semaphore, #tpu.memory_space<semaphore_mem>>) src(%dma_wait3A_398 : memref<1008x128xf32, #tpu.memory_space<hbm>>) dst(%dma_wait3A_394 : memref<64x128xf32, #tpu.memory_space<vmem>>)
      %mul3A_399 = arith.constant 64 : i32
      %mul3A_400 = arith.muli %add3A_389, %mul3A_399 : i32
      %add3A_401 = arith.addi %mul3A_2, %mul3A_400 : i32
      %dma_start3A_402 = arith.constant 3 : i32
      %dma_start3A_403 = arith.constant 0 : i32
      %dma_start3A_404 = arith.constant 0 : i32
      %dma_start3A_405 = tpu.memref_slice %arg10[%dma_start3A_402, %dma_start3A_403, %dma_start3A_404] : memref<4x64x128xf32, #tpu.memory_space<vmem>> -> memref<1x64x128xf32, #tpu.memory_space<vmem>>
      %dma_start3A_406 = tpu.memref_squeeze %dma_start3A_405 : memref<1x64x128xf32, #tpu.memory_space<vmem>> -> memref<64x128xf32, #tpu.memory_space<vmem>>
      %dma_start3A_407 = arith.constant 0 : i32
      %dma_start3A_408 = tpu.memref_slice %arg6[%add3A_401, %dma_start3A_407] : memref<204800x128xf32, #tpu.memory_space<hbm>> -> memref<64x128xf32, #tpu.memory_space<hbm>>
      %dma_start3A_409 = arith.constant 0 : i32
      %dma_start3A_410 = tpu.memref_slice %arg6[%add3A_401, %dma_start3A_409] : memref<204800x128xf32, #tpu.memory_space<hbm>> -> memref<64x128xf32, #tpu.memory_space<hbm>>
      %dma_start3A_411 = arith.constant 0 : i32
      %dma_start3A_412 = arith.constant 0 : i32
      %dma_start3A_413 = tpu.memref_slice %arg10[%dma_start3A_402, %dma_start3A_411, %dma_start3A_412] : memref<4x64x128xf32, #tpu.memory_space<vmem>> -> memref<1x64x128xf32, #tpu.memory_space<vmem>>
      %dma_start3A_414 = tpu.memref_squeeze %dma_start3A_413 : memref<1x64x128xf32, #tpu.memory_space<vmem>> -> memref<64x128xf32, #tpu.memory_space<vmem>>
      tpu.enqueue_dma source(%dma_start3A_414 : memref<64x128xf32, #tpu.memory_space<vmem>>) target(%dma_start3A_410 : memref<64x128xf32, #tpu.memory_space<hbm>>) target_semaphore(%arg23 : memref<!tpu.dma_semaphore, #tpu.memory_space<semaphore_mem>>)
      %dma_wait3A_415 = arith.constant 3 : i32
      %dma_wait3A_416 = arith.constant 0 : i32
      %dma_wait3A_417 = arith.constant 0 : i32
      %dma_wait3A_418 = tpu.memref_slice %arg11[%dma_wait3A_415, %dma_wait3A_416, %dma_wait3A_417] : memref<4x64x256xf32, #tpu.memory_space<vmem>> -> memref<1x64x256xf32, #tpu.memory_space<vmem>>
      %dma_wait3A_419 = tpu.memref_squeeze %dma_wait3A_418 : memref<1x64x256xf32, #tpu.memory_space<vmem>> -> memref<64x256xf32, #tpu.memory_space<vmem>>
      %dma_wait3A_420 = tpu.memref_slice %arg9[%mul3A_205] : memref<6400xi32, #tpu.memory_space<vmem>> -> memref<64xi32, #tpu.memory_space<vmem>>
      %dma_wait3A_421 = arith.constant 0 : i32
      %dma_wait3A_422 = arith.constant 0 : i32
      %dma_wait3A_423 = tpu.memref_slice %arg3[%dma_wait3A_421, %dma_wait3A_422] : memref<2008x256xf32, #tpu.memory_space<hbm>> -> memref<2008x256xf32, #tpu.memory_space<hbm>>
      tpu.wait_indirect_dma semaphore(%arg19 : memref<!tpu.dma_semaphore, #tpu.memory_space<semaphore_mem>>) src(%dma_wait3A_423 : memref<2008x256xf32, #tpu.memory_space<hbm>>) dst(%dma_wait3A_419 : memref<64x256xf32, #tpu.memory_space<vmem>>)
      %mul3A_424 = arith.constant 64 : i32
      %mul3A_425 = arith.muli %add3A_389, %mul3A_424 : i32
      %add3A_426 = arith.addi %mul3A_2, %mul3A_425 : i32
      %dma_start3A_427 = arith.constant 3 : i32
      %dma_start3A_428 = arith.constant 0 : i32
      %dma_start3A_429 = arith.constant 0 : i32
      %dma_start3A_430 = tpu.memref_slice %arg11[%dma_start3A_427, %dma_start3A_428, %dma_start3A_429] : memref<4x64x256xf32, #tpu.memory_space<vmem>> -> memref<1x64x256xf32, #tpu.memory_space<vmem>>
      %dma_start3A_431 = tpu.memref_squeeze %dma_start3A_430 : memref<1x64x256xf32, #tpu.memory_space<vmem>> -> memref<64x256xf32, #tpu.memory_space<vmem>>
      %dma_start3A_432 = arith.constant 0 : i32
      %dma_start3A_433 = tpu.memref_slice %arg7[%add3A_426, %dma_start3A_432] : memref<204800x256xf32, #tpu.memory_space<hbm>> -> memref<64x256xf32, #tpu.memory_space<hbm>>
      %dma_start3A_434 = arith.constant 0 : i32
      %dma_start3A_435 = tpu.memref_slice %arg7[%add3A_426, %dma_start3A_434] : memref<204800x256xf32, #tpu.memory_space<hbm>> -> memref<64x256xf32, #tpu.memory_space<hbm>>
      %dma_start3A_436 = arith.constant 0 : i32
      %dma_start3A_437 = arith.constant 0 : i32
      %dma_start3A_438 = tpu.memref_slice %arg11[%dma_start3A_427, %dma_start3A_436, %dma_start3A_437] : memref<4x64x256xf32, #tpu.memory_space<vmem>> -> memref<1x64x256xf32, #tpu.memory_space<vmem>>
      %dma_start3A_439 = tpu.memref_squeeze %dma_start3A_438 : memref<1x64x256xf32, #tpu.memory_space<vmem>> -> memref<64x256xf32, #tpu.memory_space<vmem>>
      tpu.enqueue_dma source(%dma_start3A_439 : memref<64x256xf32, #tpu.memory_space<vmem>>) target(%dma_start3A_435 : memref<64x256xf32, #tpu.memory_space<hbm>>) target_semaphore(%arg27 : memref<!tpu.dma_semaphore, #tpu.memory_space<semaphore_mem>>)
    }
    %scan3A_7 = arith.constant 25 : i32
    %dma_wait3A = arith.constant 0 : i32
    %dma_wait3A_8 = arith.constant 0 : i32
    %dma_wait3A_9 = arith.constant 0 : i32
    %dma_wait3A_10 = tpu.memref_slice %arg10[%dma_wait3A, %dma_wait3A_8, %dma_wait3A_9] : memref<4x64x128xf32, #tpu.memory_space<vmem>> -> memref<1x64x128xf32, #tpu.memory_space<vmem>>
    %dma_wait3A_11 = tpu.memref_squeeze %dma_wait3A_10 : memref<1x64x128xf32, #tpu.memory_space<vmem>> -> memref<64x128xf32, #tpu.memory_space<vmem>>
    %dma_wait3A_12 = arith.constant 0 : i32
    %dma_wait3A_13 = tpu.memref_slice %arg6[%mul3A_2, %dma_wait3A_12] : memref<204800x128xf32, #tpu.memory_space<hbm>> -> memref<64x128xf32, #tpu.memory_space<hbm>>
    %dma_wait3A_14 = arith.constant 0 : i32
    %dma_wait3A_15 = tpu.memref_slice %arg6[%mul3A_2, %dma_wait3A_14] : memref<204800x128xf32, #tpu.memory_space<hbm>> -> memref<64x128xf32, #tpu.memory_space<hbm>>
    %dma_wait3A_16 = arith.constant 0 : i32
    %dma_wait3A_17 = arith.constant 0 : i32
    %dma_wait3A_18 = tpu.memref_slice %arg10[%dma_wait3A, %dma_wait3A_16, %dma_wait3A_17] : memref<4x64x128xf32, #tpu.memory_space<vmem>> -> memref<1x64x128xf32, #tpu.memory_space<vmem>>
    %dma_wait3A_19 = tpu.memref_squeeze %dma_wait3A_18 : memref<1x64x128xf32, #tpu.memory_space<vmem>> -> memref<64x128xf32, #tpu.memory_space<vmem>>
    tpu.wait_dma2 semaphore(%arg20 : memref<!tpu.dma_semaphore, #tpu.memory_space<semaphore_mem>>) src(%dma_wait3A_19 : memref<64x128xf32, #tpu.memory_space<vmem>>) dst(%dma_wait3A_15 : memref<64x128xf32, #tpu.memory_space<hbm>>)
    %dma_wait3A_20 = arith.constant 0 : i32
    %dma_wait3A_21 = arith.constant 0 : i32
    %dma_wait3A_22 = arith.constant 0 : i32
    %dma_wait3A_23 = tpu.memref_slice %arg11[%dma_wait3A_20, %dma_wait3A_21, %dma_wait3A_22] : memref<4x64x256xf32, #tpu.memory_space<vmem>> -> memref<1x64x256xf32, #tpu.memory_space<vmem>>
    %dma_wait3A_24 = tpu.memref_squeeze %dma_wait3A_23 : memref<1x64x256xf32, #tpu.memory_space<vmem>> -> memref<64x256xf32, #tpu.memory_space<vmem>>
    %dma_wait3A_25 = arith.constant 0 : i32
    %dma_wait3A_26 = tpu.memref_slice %arg7[%mul3A_2, %dma_wait3A_25] : memref<204800x256xf32, #tpu.memory_space<hbm>> -> memref<64x256xf32, #tpu.memory_space<hbm>>
    %dma_wait3A_27 = arith.constant 0 : i32
    %dma_wait3A_28 = tpu.memref_slice %arg7[%mul3A_2, %dma_wait3A_27] : memref<204800x256xf32, #tpu.memory_space<hbm>> -> memref<64x256xf32, #tpu.memory_space<hbm>>
    %dma_wait3A_29 = arith.constant 0 : i32
    %dma_wait3A_30 = arith.constant 0 : i32
    %dma_wait3A_31 = tpu.memref_slice %arg11[%dma_wait3A_20, %dma_wait3A_29, %dma_wait3A_30] : memref<4x64x256xf32, #tpu.memory_space<vmem>> -> memref<1x64x256xf32, #tpu.memory_space<vmem>>
    %dma_wait3A_32 = tpu.memref_squeeze %dma_wait3A_31 : memref<1x64x256xf32, #tpu.memory_space<vmem>> -> memref<64x256xf32, #tpu.memory_space<vmem>>
    tpu.wait_dma2 semaphore(%arg24 : memref<!tpu.dma_semaphore, #tpu.memory_space<semaphore_mem>>) src(%dma_wait3A_32 : memref<64x256xf32, #tpu.memory_space<vmem>>) dst(%dma_wait3A_28 : memref<64x256xf32, #tpu.memory_space<hbm>>)
    %dma_wait3A_33 = arith.constant 1 : i32
    %dma_wait3A_34 = arith.constant 0 : i32
    %dma_wait3A_35 = arith.constant 0 : i32
    %dma_wait3A_36 = tpu.memref_slice %arg10[%dma_wait3A_33, %dma_wait3A_34, %dma_wait3A_35] : memref<4x64x128xf32, #tpu.memory_space<vmem>> -> memref<1x64x128xf32, #tpu.memory_space<vmem>>
    %dma_wait3A_37 = tpu.memref_squeeze %dma_wait3A_36 : memref<1x64x128xf32, #tpu.memory_space<vmem>> -> memref<64x128xf32, #tpu.memory_space<vmem>>
    %dma_wait3A_38 = arith.constant 0 : i32
    %dma_wait3A_39 = tpu.memref_slice %arg6[%mul3A_2, %dma_wait3A_38] : memref<204800x128xf32, #tpu.memory_space<hbm>> -> memref<64x128xf32, #tpu.memory_space<hbm>>
    %dma_wait3A_40 = arith.constant 0 : i32
    %dma_wait3A_41 = tpu.memref_slice %arg6[%mul3A_2, %dma_wait3A_40] : memref<204800x128xf32, #tpu.memory_space<hbm>> -> memref<64x128xf32, #tpu.memory_space<hbm>>
    %dma_wait3A_42 = arith.constant 0 : i32
    %dma_wait3A_43 = arith.constant 0 : i32
    %dma_wait3A_44 = tpu.memref_slice %arg10[%dma_wait3A_33, %dma_wait3A_42, %dma_wait3A_43] : memref<4x64x128xf32, #tpu.memory_space<vmem>> -> memref<1x64x128xf32, #tpu.memory_space<vmem>>
    %dma_wait3A_45 = tpu.memref_squeeze %dma_wait3A_44 : memref<1x64x128xf32, #tpu.memory_space<vmem>> -> memref<64x128xf32, #tpu.memory_space<vmem>>
    tpu.wait_dma2 semaphore(%arg21 : memref<!tpu.dma_semaphore, #tpu.memory_space<semaphore_mem>>) src(%dma_wait3A_45 : memref<64x128xf32, #tpu.memory_space<vmem>>) dst(%dma_wait3A_41 : memref<64x128xf32, #tpu.memory_space<hbm>>)
    %dma_wait3A_46 = arith.constant 1 : i32
    %dma_wait3A_47 = arith.constant 0 : i32
    %dma_wait3A_48 = arith.constant 0 : i32
    %dma_wait3A_49 = tpu.memref_slice %arg11[%dma_wait3A_46, %dma_wait3A_47, %dma_wait3A_48] : memref<4x64x256xf32, #tpu.memory_space<vmem>> -> memref<1x64x256xf32, #tpu.memory_space<vmem>>
    %dma_wait3A_50 = tpu.memref_squeeze %dma_wait3A_49 : memref<1x64x256xf32, #tpu.memory_space<vmem>> -> memref<64x256xf32, #tpu.memory_space<vmem>>
    %dma_wait3A_51 = arith.constant 0 : i32
    %dma_wait3A_52 = tpu.memref_slice %arg7[%mul3A_2, %dma_wait3A_51] : memref<204800x256xf32, #tpu.memory_space<hbm>> -> memref<64x256xf32, #tpu.memory_space<hbm>>
    %dma_wait3A_53 = arith.constant 0 : i32
    %dma_wait3A_54 = tpu.memref_slice %arg7[%mul3A_2, %dma_wait3A_53] : memref<204800x256xf32, #tpu.memory_space<hbm>> -> memref<64x256xf32, #tpu.memory_space<hbm>>
    %dma_wait3A_55 = arith.constant 0 : i32
    %dma_wait3A_56 = arith.constant 0 : i32
    %dma_wait3A_57 = tpu.memref_slice %arg11[%dma_wait3A_46, %dma_wait3A_55, %dma_wait3A_56] : memref<4x64x256xf32, #tpu.memory_space<vmem>> -> memref<1x64x256xf32, #tpu.memory_space<vmem>>
    %dma_wait3A_58 = tpu.memref_squeeze %dma_wait3A_57 : memref<1x64x256xf32, #tpu.memory_space<vmem>> -> memref<64x256xf32, #tpu.memory_space<vmem>>
    tpu.wait_dma2 semaphore(%arg25 : memref<!tpu.dma_semaphore, #tpu.memory_space<semaphore_mem>>) src(%dma_wait3A_58 : memref<64x256xf32, #tpu.memory_space<vmem>>) dst(%dma_wait3A_54 : memref<64x256xf32, #tpu.memory_space<hbm>>)
    %dma_wait3A_59 = arith.constant 2 : i32
    %dma_wait3A_60 = arith.constant 0 : i32
    %dma_wait3A_61 = arith.constant 0 : i32
    %dma_wait3A_62 = tpu.memref_slice %arg10[%dma_wait3A_59, %dma_wait3A_60, %dma_wait3A_61] : memref<4x64x128xf32, #tpu.memory_space<vmem>> -> memref<1x64x128xf32, #tpu.memory_space<vmem>>
    %dma_wait3A_63 = tpu.memref_squeeze %dma_wait3A_62 : memref<1x64x128xf32, #tpu.memory_space<vmem>> -> memref<64x128xf32, #tpu.memory_space<vmem>>
    %dma_wait3A_64 = arith.constant 0 : i32
    %dma_wait3A_65 = tpu.memref_slice %arg6[%mul3A_2, %dma_wait3A_64] : memref<204800x128xf32, #tpu.memory_space<hbm>> -> memref<64x128xf32, #tpu.memory_space<hbm>>
    %dma_wait3A_66 = arith.constant 0 : i32
    %dma_wait3A_67 = tpu.memref_slice %arg6[%mul3A_2, %dma_wait3A_66] : memref<204800x128xf32, #tpu.memory_space<hbm>> -> memref<64x128xf32, #tpu.memory_space<hbm>>
    %dma_wait3A_68 = arith.constant 0 : i32
    %dma_wait3A_69 = arith.constant 0 : i32
    %dma_wait3A_70 = tpu.memref_slice %arg10[%dma_wait3A_59, %dma_wait3A_68, %dma_wait3A_69] : memref<4x64x128xf32, #tpu.memory_space<vmem>> -> memref<1x64x128xf32, #tpu.memory_space<vmem>>
    %dma_wait3A_71 = tpu.memref_squeeze %dma_wait3A_70 : memref<1x64x128xf32, #tpu.memory_space<vmem>> -> memref<64x128xf32, #tpu.memory_space<vmem>>
    tpu.wait_dma2 semaphore(%arg22 : memref<!tpu.dma_semaphore, #tpu.memory_space<semaphore_mem>>) src(%dma_wait3A_71 : memref<64x128xf32, #tpu.memory_space<vmem>>) dst(%dma_wait3A_67 : memref<64x128xf32, #tpu.memory_space<hbm>>)
    %dma_wait3A_72 = arith.constant 2 : i32
    %dma_wait3A_73 = arith.constant 0 : i32
    %dma_wait3A_74 = arith.constant 0 : i32
    %dma_wait3A_75 = tpu.memref_slice %arg11[%dma_wait3A_72, %dma_wait3A_73, %dma_wait3A_74] : memref<4x64x256xf32, #tpu.memory_space<vmem>> -> memref<1x64x256xf32, #tpu.memory_space<vmem>>
    %dma_wait3A_76 = tpu.memref_squeeze %dma_wait3A_75 : memref<1x64x256xf32, #tpu.memory_space<vmem>> -> memref<64x256xf32, #tpu.memory_space<vmem>>
    %dma_wait3A_77 = arith.constant 0 : i32
    %dma_wait3A_78 = tpu.memref_slice %arg7[%mul3A_2, %dma_wait3A_77] : memref<204800x256xf32, #tpu.memory_space<hbm>> -> memref<64x256xf32, #tpu.memory_space<hbm>>
    %dma_wait3A_79 = arith.constant 0 : i32
    %dma_wait3A_80 = tpu.memref_slice %arg7[%mul3A_2, %dma_wait3A_79] : memref<204800x256xf32, #tpu.memory_space<hbm>> -> memref<64x256xf32, #tpu.memory_space<hbm>>
    %dma_wait3A_81 = arith.constant 0 : i32
    %dma_wait3A_82 = arith.constant 0 : i32
    %dma_wait3A_83 = tpu.memref_slice %arg11[%dma_wait3A_72, %dma_wait3A_81, %dma_wait3A_82] : memref<4x64x256xf32, #tpu.memory_space<vmem>> -> memref<1x64x256xf32, #tpu.memory_space<vmem>>
    %dma_wait3A_84 = tpu.memref_squeeze %dma_wait3A_83 : memref<1x64x256xf32, #tpu.memory_space<vmem>> -> memref<64x256xf32, #tpu.memory_space<vmem>>
    tpu.wait_dma2 semaphore(%arg26 : memref<!tpu.dma_semaphore, #tpu.memory_space<semaphore_mem>>) src(%dma_wait3A_84 : memref<64x256xf32, #tpu.memory_space<vmem>>) dst(%dma_wait3A_80 : memref<64x256xf32, #tpu.memory_space<hbm>>)
    %dma_wait3A_85 = arith.constant 3 : i32
    %dma_wait3A_86 = arith.constant 0 : i32
    %dma_wait3A_87 = arith.constant 0 : i32
    %dma_wait3A_88 = tpu.memref_slice %arg10[%dma_wait3A_85, %dma_wait3A_86, %dma_wait3A_87] : memref<4x64x128xf32, #tpu.memory_space<vmem>> -> memref<1x64x128xf32, #tpu.memory_space<vmem>>
    %dma_wait3A_89 = tpu.memref_squeeze %dma_wait3A_88 : memref<1x64x128xf32, #tpu.memory_space<vmem>> -> memref<64x128xf32, #tpu.memory_space<vmem>>
    %dma_wait3A_90 = arith.constant 0 : i32
    %dma_wait3A_91 = tpu.memref_slice %arg6[%mul3A_2, %dma_wait3A_90] : memref<204800x128xf32, #tpu.memory_space<hbm>> -> memref<64x128xf32, #tpu.memory_space<hbm>>
    %dma_wait3A_92 = arith.constant 0 : i32
    %dma_wait3A_93 = tpu.memref_slice %arg6[%mul3A_2, %dma_wait3A_92] : memref<204800x128xf32, #tpu.memory_space<hbm>> -> memref<64x128xf32, #tpu.memory_space<hbm>>
    %dma_wait3A_94 = arith.constant 0 : i32
    %dma_wait3A_95 = arith.constant 0 : i32
    %dma_wait3A_96 = tpu.memref_slice %arg10[%dma_wait3A_85, %dma_wait3A_94, %dma_wait3A_95] : memref<4x64x128xf32, #tpu.memory_space<vmem>> -> memref<1x64x128xf32, #tpu.memory_space<vmem>>
    %dma_wait3A_97 = tpu.memref_squeeze %dma_wait3A_96 : memref<1x64x128xf32, #tpu.memory_space<vmem>> -> memref<64x128xf32, #tpu.memory_space<vmem>>
    tpu.wait_dma2 semaphore(%arg23 : memref<!tpu.dma_semaphore, #tpu.memory_space<semaphore_mem>>) src(%dma_wait3A_97 : memref<64x128xf32, #tpu.memory_space<vmem>>) dst(%dma_wait3A_93 : memref<64x128xf32, #tpu.memory_space<hbm>>)
    %dma_wait3A_98 = arith.constant 3 : i32
    %dma_wait3A_99 = arith.constant 0 : i32
    %dma_wait3A_100 = arith.constant 0 : i32
    %dma_wait3A_101 = tpu.memref_slice %arg11[%dma_wait3A_98, %dma_wait3A_99, %dma_wait3A_100] : memref<4x64x256xf32, #tpu.memory_space<vmem>> -> memref<1x64x256xf32, #tpu.memory_space<vmem>>
    %dma_wait3A_102 = tpu.memref_squeeze %dma_wait3A_101 : memref<1x64x256xf32, #tpu.memory_space<vmem>> -> memref<64x256xf32, #tpu.memory_space<vmem>>
    %dma_wait3A_103 = arith.constant 0 : i32
    %dma_wait3A_104 = tpu.memref_slice %arg7[%mul3A_2, %dma_wait3A_103] : memref<204800x256xf32, #tpu.memory_space<hbm>> -> memref<64x256xf32, #tpu.memory_space<hbm>>
    %dma_wait3A_105 = arith.constant 0 : i32
    %dma_wait3A_106 = tpu.memref_slice %arg7[%mul3A_2, %dma_wait3A_105] : memref<204800x256xf32, #tpu.memory_space<hbm>> -> memref<64x256xf32, #tpu.memory_space<hbm>>
    %dma_wait3A_107 = arith.constant 0 : i32
    %dma_wait3A_108 = arith.constant 0 : i32
    %dma_wait3A_109 = tpu.memref_slice %arg11[%dma_wait3A_98, %dma_wait3A_107, %dma_wait3A_108] : memref<4x64x256xf32, #tpu.memory_space<vmem>> -> memref<1x64x256xf32, #tpu.memory_space<vmem>>
    %dma_wait3A_110 = tpu.memref_squeeze %dma_wait3A_109 : memref<1x64x256xf32, #tpu.memory_space<vmem>> -> memref<64x256xf32, #tpu.memory_space<vmem>>
    tpu.wait_dma2 semaphore(%arg27 : memref<!tpu.dma_semaphore, #tpu.memory_space<semaphore_mem>>) src(%dma_wait3A_110 : memref<64x256xf32, #tpu.memory_space<vmem>>) dst(%dma_wait3A_106 : memref<64x256xf32, #tpu.memory_space<hbm>>)
    return
  }
}

module attributes {stable_mosaic.version = 14 : i64} {
  func.func @_dense_body(%arg0: memref<1000x128xf32, #tpu.memory_space<vmem>>, %arg1: memref<100x128xf32, #tpu.memory_space<vmem>>, %arg2: memref<1000x100xf32, #tpu.memory_space<vmem>>, %arg3: memref<1000x1000xf32, #tpu.memory_space<vmem>>, %arg4: memref<100x100xf32, #tpu.memory_space<vmem>>, %arg5: memref<4x128x128xf32, #tpu.memory_space<vmem>>, %arg6: memref<4x128x1xf32, #tpu.memory_space<vmem>>, %arg7: memref<4x128x1xf32, #tpu.memory_space<vmem>>, %arg8: memref<128x128xf32, #tpu.memory_space<vmem>>, %arg9: memref<128x128xf32, #tpu.memory_space<vmem>>, %arg10: memref<1024x200xi32, #tpu.memory_space<vmem>>, %arg11: memref<1024x200xi32, #tpu.memory_space<vmem>>, %arg12: memref<1000x128xf32, #tpu.memory_space<vmem>>, %arg13: memref<1000x128xf32, #tpu.memory_space<vmem>>, %arg14: memref<100x128xf32, #tpu.memory_space<vmem>>, %arg15: memref<1008x128xf32, #tpu.memory_space<vmem>>, %arg16: memref<2008x256xf32, #tpu.memory_space<vmem>>, %arg17: memref<200x1024xi32, #tpu.memory_space<vmem>>, %arg18: memref<200x1024xi32, #tpu.memory_space<vmem>>) attributes {dimension_semantics = [], scalar_prefetch = 0 : i64, scratch_operands = 0 : i64, tpu.core_type = #tpu.core_type<tc>} {
    %get3A = arith.constant 0 : index
    %get3A_0 = arith.constant 0 : index
    %get3A_1 = vector.load %arg0[%get3A, %get3A_0] : memref<1000x128xf32, #tpu.memory_space<vmem>>, vector<1000x128xf32>
    %get3A_2 = arith.constant 0 : index
    %get3A_3 = arith.constant 0 : index
    %get3A_4 = vector.load %arg1[%get3A_2, %get3A_3] : memref<100x128xf32, #tpu.memory_space<vmem>>, vector<100x128xf32>
    %get3A_5 = arith.constant 0 : index
    %get3A_6 = arith.constant 0 : index
    %get3A_7 = vector.load %arg3[%get3A_5, %get3A_6] : memref<1000x1000xf32, #tpu.memory_space<vmem>>, vector<1000x1000xf32>
    %get3A_8 = arith.constant 0 : index
    %get3A_9 = arith.constant 0 : index
    %get3A_10 = vector.load %arg8[%get3A_8, %get3A_9] : memref<128x128xf32, #tpu.memory_space<vmem>>, vector<128x128xf32>
    %dot_general3A = arith.constant dense<0.000000e+00> : vector<1000x128xf32>
    %dot_general3A_11 = tpu.matmul %get3A_1, %get3A_10, %dot_general3A {dimension_numbers = #tpu.dot_dimension_numbers<[1], [0], [0], [1], [0, 0, 1, 1], [], []>, transpose_lhs_hint = false} : vector<1000x128xf32>, vector<128x128xf32>, vector<1000x128xf32> -> vector<1000x128xf32>
    %dot_general3A_12 = arith.constant dense<0.000000e+00> : vector<1000x128xf32>
    %dot_general3A_13 = tpu.matmul %get3A_7, %dot_general3A_11, %dot_general3A_12 {dimension_numbers = #tpu.dot_dimension_numbers<[1], [0], [0], [1], [0, 0, 1, 1], [], []>, transpose_lhs_hint = false} : vector<1000x1000xf32>, vector<1000x128xf32>, vector<1000x128xf32> -> vector<1000x128xf32>
    %max3A = arith.constant 0.000000e+00 : f32
    %max3A_14 = vector.broadcast %max3A : f32 to vector<1000x128xf32>
    %max3A_15 = arith.maximumf %dot_general3A_13, %max3A_14 : vector<1000x128xf32>
    %swap3A = arith.constant 0 : index
    %swap3A_16 = arith.constant 0 : index
    %swap3A_17 = vector.load %arg13[%swap3A, %swap3A_16] : memref<1000x128xf32, #tpu.memory_space<vmem>>, vector<1000x128xf32>
    tpu.vector_store %arg13[%swap3A, %swap3A_16], %max3A_15 {strides = array<i32>} : memref<1000x128xf32, #tpu.memory_space<vmem>>, vector<1000x128xf32>,
    %get3A_18 = arith.constant 0 : index
    %get3A_19 = arith.constant 0 : index
    %get3A_20 = vector.load %arg4[%get3A_18, %get3A_19] : memref<100x100xf32, #tpu.memory_space<vmem>>, vector<100x100xf32>
    %get3A_21 = arith.constant 0 : index
    %get3A_22 = arith.constant 0 : index
    %get3A_23 = vector.load %arg9[%get3A_21, %get3A_22] : memref<128x128xf32, #tpu.memory_space<vmem>>, vector<128x128xf32>
    %dot_general3A_24 = arith.constant dense<0.000000e+00> : vector<100x128xf32>
    %dot_general3A_25 = tpu.matmul %get3A_4, %get3A_23, %dot_general3A_24 {dimension_numbers = #tpu.dot_dimension_numbers<[1], [0], [0], [1], [0, 0, 1, 1], [], []>, transpose_lhs_hint = false} : vector<100x128xf32>, vector<128x128xf32>, vector<100x128xf32> -> vector<100x128xf32>
    %dot_general3A_26 = arith.constant dense<0.000000e+00> : vector<100x128xf32>
    %dot_general3A_27 = tpu.matmul %get3A_20, %dot_general3A_25, %dot_general3A_26 {dimension_numbers = #tpu.dot_dimension_numbers<[1], [0], [0], [1], [0, 0, 1, 1], [], []>, transpose_lhs_hint = false} : vector<100x100xf32>, vector<100x128xf32>, vector<100x128xf32> -> vector<100x128xf32>
    %max3A_28 = arith.constant 0.000000e+00 : f32
    %max3A_29 = vector.broadcast %max3A_28 : f32 to vector<100x128xf32>
    %max3A_30 = arith.maximumf %dot_general3A_27, %max3A_29 : vector<100x128xf32>
    %swap3A_31 = arith.constant 0 : index
    %swap3A_32 = arith.constant 0 : index
    %swap3A_33 = vector.load %arg14[%swap3A_31, %swap3A_32] : memref<100x128xf32, #tpu.memory_space<vmem>>, vector<100x128xf32>
    tpu.vector_store %arg14[%swap3A_31, %swap3A_32], %max3A_30 {strides = array<i32>} : memref<100x128xf32, #tpu.memory_space<vmem>>, vector<100x128xf32>,
    %get3A_34 = arith.constant 0 : index
    %get3A_35 = arith.constant 0 : index
    %get3A_36 = vector.load %arg2[%get3A_34, %get3A_35] : memref<1000x100xf32, #tpu.memory_space<vmem>>, vector<1000x100xf32>
    %broadcast_in_dim3A = arith.constant 1.000000e+00 : f32
    %broadcast_in_dim3A_37 = vector.broadcast %broadcast_in_dim3A : f32 to vector<1000x1xf32>
    %iota3A = tpu.iota {dimensions = array<i32: 0>} : vector<128x128xi32>
    %iota3A_38 = tpu.iota {dimensions = array<i32: 1>} : vector<128x128xi32>
    %broadcast_in_dim3A_39 = arith.constant 0.000000e+00 : f32
    %broadcast_in_dim3A_40 = vector.broadcast %broadcast_in_dim3A_39 : f32 to vector<1000x128xf32>
    %get3A_41 = arith.constant 0 : index
    %get3A_42 = arith.constant 0 : index
    %get3A_43 = arith.constant 0 : index
    %get3A_44 = vector.load %arg5[%get3A_41, %get3A_42, %get3A_43] : memref<4x128x128xf32, #tpu.memory_space<vmem>>, vector<1x128x128xf32>
    %get3A_45 = vector.shape_cast %get3A_44 : vector<1x128x128xf32> to vector<128x128xf32>
    %dot_general3A_46 = arith.constant dense<0.000000e+00> : vector<1000x128xf32>
    %dot_general3A_47 = tpu.matmul %get3A_1, %get3A_45, %dot_general3A_46 {dimension_numbers = #tpu.dot_dimension_numbers<[1], [0], [0], [1], [0, 0, 1, 1], [], []>, transpose_lhs_hint = false} : vector<1000x128xf32>, vector<128x128xf32>, vector<1000x128xf32> -> vector<1000x128xf32>
    %dot_general3A_48 = arith.constant dense<0.000000e+00> : vector<100x128xf32>
    %dot_general3A_49 = tpu.matmul %get3A_4, %get3A_45, %dot_general3A_48 {dimension_numbers = #tpu.dot_dimension_numbers<[1], [0], [0], [1], [0, 0, 1, 1], [], []>, transpose_lhs_hint = false} : vector<100x128xf32>, vector<128x128xf32>, vector<100x128xf32> -> vector<100x128xf32>
    %get3A_50 = arith.constant 0 : index
    %get3A_51 = arith.constant 0 : index
    %get3A_52 = arith.constant 0 : index
    %get3A_53 = vector.load %arg6[%get3A_50, %get3A_51, %get3A_52] : memref<4x128x1xf32, #tpu.memory_space<vmem>>, vector<1x128x1xf32>
    %get3A_54 = vector.shape_cast %get3A_53 : vector<1x128x1xf32> to vector<128x1xf32>
    %dot_general3A_55 = arith.constant dense<0.000000e+00> : vector<1000x1xf32>
    %dot_general3A_56 = tpu.matmul %dot_general3A_47, %get3A_54, %dot_general3A_55 {dimension_numbers = #tpu.dot_dimension_numbers<[1], [0], [0], [1], [0, 0, 1, 1], [], []>, transpose_lhs_hint = false} : vector<1000x128xf32>, vector<128x1xf32>, vector<1000x1xf32> -> vector<1000x1xf32>
    %get3A_57 = arith.constant 0 : index
    %get3A_58 = arith.constant 0 : index
    %get3A_59 = arith.constant 0 : index
    %get3A_60 = vector.load %arg7[%get3A_57, %get3A_58, %get3A_59] : memref<4x128x1xf32, #tpu.memory_space<vmem>>, vector<1x128x1xf32>
    %get3A_61 = vector.shape_cast %get3A_60 : vector<1x128x1xf32> to vector<128x1xf32>
    %dot_general3A_62 = arith.constant dense<0.000000e+00> : vector<100x1xf32>
    %dot_general3A_63 = tpu.matmul %dot_general3A_49, %get3A_61, %dot_general3A_62 {dimension_numbers = #tpu.dot_dimension_numbers<[1], [0], [0], [1], [0, 0, 1, 1], [], []>, transpose_lhs_hint = false} : vector<100x128xf32>, vector<128x1xf32>, vector<100x1xf32> -> vector<100x1xf32>
    %dot_general3A_64 = arith.constant dense<0.000000e+00> : vector<1000x100xf32>
    %dot_general3A_65 = tpu.matmul %broadcast_in_dim3A_37, %dot_general3A_63, %dot_general3A_64 {dimension_numbers = #tpu.dot_dimension_numbers<[1], [1], [0], [0], [0, 0, 1, 0], [], []>, transpose_lhs_hint = false} : vector<1000x1xf32>, vector<100x1xf32>, vector<1000x100xf32> -> vector<1000x100xf32>
    %add3A = vector.broadcast %dot_general3A_56 : vector<1000x1xf32> to vector<1000x100xf32>
    %add3A_66 = arith.addf %add3A, %dot_general3A_65 : vector<1000x100xf32>
    %gt3A = arith.constant 0.000000e+00 : f32
    %gt3A_67 = vector.broadcast %gt3A : f32 to vector<1000x100xf32>
    %gt3A_68 = arith.cmpf ogt, %add3A_66, %gt3A_67 : vector<1000x100xf32>
    %mul3A = arith.constant 2.000000e-01 : f32
    %mul3A_69 = vector.broadcast %mul3A : f32 to vector<1000x100xf32>
    %mul3A_70 = arith.mulf %mul3A_69, %add3A_66 : vector<1000x100xf32>
    %select_n3A = arith.select %gt3A_68, %add3A_66, %mul3A_70 : vector<1000x100xi1>, vector<1000x100xf32>
    %gt3A_71 = arith.constant 0.000000e+00 : f32
    %gt3A_72 = vector.broadcast %gt3A_71 : f32 to vector<1000x100xf32>
    %gt3A_73 = arith.cmpf ogt, %get3A_36, %gt3A_72 : vector<1000x100xf32>
    %jit3A = arith.constant -9.000000e+15 : f32
    %broadcast_in_dim3A_74 = vector.broadcast %jit3A : f32 to vector<1000x100xf32>
    %select_n3A_75 = arith.select %gt3A_73, %select_n3A, %broadcast_in_dim3A_74 : vector<1000x100xi1>, vector<1000x100xf32>
    %reduce_max3A = arith.constant dense<0xFF800000> : vector<1000xf32>
    %reduce_max3A_76 = vector.multi_reduction <maximumf>, %select_n3A_75, %reduce_max3A [1] : vector<1000x100xf32> to vector<1000xf32>
    %broadcast_in_dim3A_77 = vector.shape_cast %reduce_max3A_76 : vector<1000xf32> to vector<1000x1xf32>
    %sub3A = vector.broadcast %broadcast_in_dim3A_77 : vector<1000x1xf32> to vector<1000x100xf32>
    %sub3A_78 = arith.subf %select_n3A_75, %sub3A : vector<1000x100xf32>
    %exp3A = math.exp %sub3A_78 : vector<1000x100xf32>
    %reduce_sum3A = arith.constant dense<0.000000e+00> : vector<1000xf32>
    %reduce_sum3A_79 = vector.multi_reduction <add>, %exp3A, %reduce_sum3A [1] : vector<1000x100xf32> to vector<1000xf32>
    %broadcast_in_dim3A_80 = vector.shape_cast %reduce_sum3A_79 : vector<1000xf32> to vector<1000x1xf32>
    %div3A = vector.broadcast %broadcast_in_dim3A_80 : vector<1000x1xf32> to vector<1000x100xf32>
    %div3A_81 = arith.divf %exp3A, %div3A : vector<1000x100xf32>
    %dot_general3A_82 = arith.constant dense<0.000000e+00> : vector<1000x128xf32>
    %dot_general3A_83 = tpu.matmul %div3A_81, %dot_general3A_49, %dot_general3A_82 {dimension_numbers = #tpu.dot_dimension_numbers<[1], [0], [0], [1], [0, 0, 1, 1], [], []>, transpose_lhs_hint = false} : vector<1000x100xf32>, vector<100x128xf32>, vector<1000x128xf32> -> vector<1000x128xf32>
    %gt3A_84 = arith.constant 0.000000e+00 : f32
    %gt3A_85 = vector.broadcast %gt3A_84 : f32 to vector<1000x128xf32>
    %gt3A_86 = arith.cmpf ogt, %dot_general3A_83, %gt3A_85 : vector<1000x128xf32>
    %exp3A_87 = math.exp %dot_general3A_83 : vector<1000x128xf32>
    %sub3A_88 = arith.constant 1.000000e+00 : f32
    %sub3A_89 = vector.broadcast %sub3A_88 : f32 to vector<1000x128xf32>
    %sub3A_90 = arith.subf %exp3A_87, %sub3A_89 : vector<1000x128xf32>
    %select_n3A_91 = arith.select %gt3A_86, %dot_general3A_83, %sub3A_90 : vector<1000x128xi1>, vector<1000x128xf32>
    %jit3A_92 = arith.constant 4 : i32
    %div3A_93 = vector.broadcast %jit3A_92 : i32 to vector<128x128xi32>
    %div3A_94 = arith.divsi %iota3A, %div3A_93 : vector<128x128xi32>
    %sign3A = arith.constant 0 : i32
    %sign3A_95 = vector.broadcast %sign3A : i32 to vector<128x128xi32>
    %sign3A_96 = arith.cmpi sgt, %iota3A, %sign3A_95 : vector<128x128xi32>
    %sign3A_97 = arith.extui %sign3A_96 : vector<128x128xi1> to vector<128x128xi32>
    %sign3A_98 = arith.constant 0 : i32
    %sign3A_99 = vector.broadcast %sign3A_98 : i32 to vector<128x128xi32>
    %sign3A_100 = arith.cmpi slt, %iota3A, %sign3A_99 : vector<128x128xi32>
    %sign3A_101 = arith.extui %sign3A_100 : vector<128x128xi1> to vector<128x128xi32>
    %sign3A_102 = arith.subi %sign3A_97, %sign3A_101 : vector<128x128xi32>
    %sign3A_103 = arith.constant 0 : i32
    %sign3A_104 = arith.cmpi sgt, %jit3A_92, %sign3A_103 : i32
    %sign3A_105 = arith.extui %sign3A_104 : i1 to i32
    %sign3A_106 = arith.constant 0 : i32
    %sign3A_107 = arith.cmpi slt, %jit3A_92, %sign3A_106 : i32
    %sign3A_108 = arith.extui %sign3A_107 : i1 to i32
    %sign3A_109 = arith.subi %sign3A_105, %sign3A_108 : i32
    %ne3A = vector.broadcast %sign3A_109 : i32 to vector<128x128xi32>
    %ne3A_110 = arith.cmpi ne, %sign3A_102, %ne3A : vector<128x128xi32>
    %rem3A = vector.broadcast %jit3A_92 : i32 to vector<128x128xi32>
    %rem3A_111 = arith.remsi %iota3A, %rem3A : vector<128x128xi32>
    %ne3A_112 = arith.constant 0 : i32
    %ne3A_113 = vector.broadcast %ne3A_112 : i32 to vector<128x128xi32>
    %ne3A_114 = arith.cmpi ne, %rem3A_111, %ne3A_113 : vector<128x128xi32>
    %and3A = arith.andi %ne3A_110, %ne3A_114 : vector<128x128xi1>
    %sub3A_115 = arith.constant 1 : i32
    %sub3A_116 = vector.broadcast %sub3A_115 : i32 to vector<128x128xi32>
    %sub3A_117 = arith.subi %div3A_94, %sub3A_116 : vector<128x128xi32>
    %select_n3A_118 = arith.select %and3A, %sub3A_117, %div3A_94 : vector<128x128xi1>, vector<128x128xi32>
    %add3A_119 = arith.constant 0 : i32
    %add3A_120 = vector.broadcast %add3A_119 : i32 to vector<128x128xi32>
    %add3A_121 = arith.addi %add3A_120, %select_n3A_118 : vector<128x128xi32>
    %eq3A = arith.cmpi eq, %iota3A_38, %add3A_121 : vector<128x128xi32>
    %jit3A_122 = arith.constant 2.500000e-01 : f32
    %jit3A_123 = arith.constant 0.000000e+00 : f32
    %broadcast_in_dim3A_124 = vector.broadcast %jit3A_122 : f32 to vector<128x128xf32>
    %broadcast_in_dim3A_125 = vector.broadcast %jit3A_123 : f32 to vector<128x128xf32>
    %select_n3A_126 = arith.select %eq3A, %broadcast_in_dim3A_124, %broadcast_in_dim3A_125 : vector<128x128xi1>, vector<128x128xf32>
    %dot_general3A_127 = arith.constant dense<0.000000e+00> : vector<1000x128xf32>
    %dot_general3A_128 = tpu.matmul %select_n3A_91, %select_n3A_126, %dot_general3A_127 {dimension_numbers = #tpu.dot_dimension_numbers<[1], [0], [0], [1], [0, 0, 1, 1], [], []>, transpose_lhs_hint = false} : vector<1000x128xf32>, vector<128x128xf32>, vector<1000x128xf32> -> vector<1000x128xf32>
    %add3A_129 = arith.addf %broadcast_in_dim3A_40, %dot_general3A_128 : vector<1000x128xf32>
    %get3A_130 = arith.constant 1 : index
    %get3A_131 = arith.constant 0 : index
    %get3A_132 = arith.constant 0 : index
    %get3A_133 = vector.load %arg5[%get3A_130, %get3A_131, %get3A_132] : memref<4x128x128xf32, #tpu.memory_space<vmem>>, vector<1x128x128xf32>
    %get3A_134 = vector.shape_cast %get3A_133 : vector<1x128x128xf32> to vector<128x128xf32>
    %dot_general3A_135 = arith.constant dense<0.000000e+00> : vector<1000x128xf32>
    %dot_general3A_136 = tpu.matmul %get3A_1, %get3A_134, %dot_general3A_135 {dimension_numbers = #tpu.dot_dimension_numbers<[1], [0], [0], [1], [0, 0, 1, 1], [], []>, transpose_lhs_hint = false} : vector<1000x128xf32>, vector<128x128xf32>, vector<1000x128xf32> -> vector<1000x128xf32>
    %dot_general3A_137 = arith.constant dense<0.000000e+00> : vector<100x128xf32>
    %dot_general3A_138 = tpu.matmul %get3A_4, %get3A_134, %dot_general3A_137 {dimension_numbers = #tpu.dot_dimension_numbers<[1], [0], [0], [1], [0, 0, 1, 1], [], []>, transpose_lhs_hint = false} : vector<100x128xf32>, vector<128x128xf32>, vector<100x128xf32> -> vector<100x128xf32>
    %get3A_139 = arith.constant 1 : index
    %get3A_140 = arith.constant 0 : index
    %get3A_141 = arith.constant 0 : index
    %get3A_142 = vector.load %arg6[%get3A_139, %get3A_140, %get3A_141] : memref<4x128x1xf32, #tpu.memory_space<vmem>>, vector<1x128x1xf32>
    %get3A_143 = vector.shape_cast %get3A_142 : vector<1x128x1xf32> to vector<128x1xf32>
    %dot_general3A_144 = arith.constant dense<0.000000e+00> : vector<1000x1xf32>
    %dot_general3A_145 = tpu.matmul %dot_general3A_136, %get3A_143, %dot_general3A_144 {dimension_numbers = #tpu.dot_dimension_numbers<[1], [0], [0], [1], [0, 0, 1, 1], [], []>, transpose_lhs_hint = false} : vector<1000x128xf32>, vector<128x1xf32>, vector<1000x1xf32> -> vector<1000x1xf32>
    %get3A_146 = arith.constant 1 : index
    %get3A_147 = arith.constant 0 : index
    %get3A_148 = arith.constant 0 : index
    %get3A_149 = vector.load %arg7[%get3A_146, %get3A_147, %get3A_148] : memref<4x128x1xf32, #tpu.memory_space<vmem>>, vector<1x128x1xf32>
    %get3A_150 = vector.shape_cast %get3A_149 : vector<1x128x1xf32> to vector<128x1xf32>
    %dot_general3A_151 = arith.constant dense<0.000000e+00> : vector<100x1xf32>
    %dot_general3A_152 = tpu.matmul %dot_general3A_138, %get3A_150, %dot_general3A_151 {dimension_numbers = #tpu.dot_dimension_numbers<[1], [0], [0], [1], [0, 0, 1, 1], [], []>, transpose_lhs_hint = false} : vector<100x128xf32>, vector<128x1xf32>, vector<100x1xf32> -> vector<100x1xf32>
    %dot_general3A_153 = arith.constant dense<0.000000e+00> : vector<1000x100xf32>
    %dot_general3A_154 = tpu.matmul %broadcast_in_dim3A_37, %dot_general3A_152, %dot_general3A_153 {dimension_numbers = #tpu.dot_dimension_numbers<[1], [1], [0], [0], [0, 0, 1, 0], [], []>, transpose_lhs_hint = false} : vector<1000x1xf32>, vector<100x1xf32>, vector<1000x100xf32> -> vector<1000x100xf32>
    %add3A_155 = vector.broadcast %dot_general3A_145 : vector<1000x1xf32> to vector<1000x100xf32>
    %add3A_156 = arith.addf %add3A_155, %dot_general3A_154 : vector<1000x100xf32>
    %gt3A_157 = arith.constant 0.000000e+00 : f32
    %gt3A_158 = vector.broadcast %gt3A_157 : f32 to vector<1000x100xf32>
    %gt3A_159 = arith.cmpf ogt, %add3A_156, %gt3A_158 : vector<1000x100xf32>
    %mul3A_160 = arith.constant 2.000000e-01 : f32
    %mul3A_161 = vector.broadcast %mul3A_160 : f32 to vector<1000x100xf32>
    %mul3A_162 = arith.mulf %mul3A_161, %add3A_156 : vector<1000x100xf32>
    %select_n3A_163 = arith.select %gt3A_159, %add3A_156, %mul3A_162 : vector<1000x100xi1>, vector<1000x100xf32>
    %gt3A_164 = arith.constant 0.000000e+00 : f32
    %gt3A_165 = vector.broadcast %gt3A_164 : f32 to vector<1000x100xf32>
    %gt3A_166 = arith.cmpf ogt, %get3A_36, %gt3A_165 : vector<1000x100xf32>
    %jit3A_167 = arith.constant -9.000000e+15 : f32
    %broadcast_in_dim3A_168 = vector.broadcast %jit3A_167 : f32 to vector<1000x100xf32>
    %select_n3A_169 = arith.select %gt3A_166, %select_n3A_163, %broadcast_in_dim3A_168 : vector<1000x100xi1>, vector<1000x100xf32>
    %reduce_max3A_170 = arith.constant dense<0xFF800000> : vector<1000xf32>
    %reduce_max3A_171 = vector.multi_reduction <maximumf>, %select_n3A_169, %reduce_max3A_170 [1] : vector<1000x100xf32> to vector<1000xf32>
    %broadcast_in_dim3A_172 = vector.shape_cast %reduce_max3A_171 : vector<1000xf32> to vector<1000x1xf32>
    %sub3A_173 = vector.broadcast %broadcast_in_dim3A_172 : vector<1000x1xf32> to vector<1000x100xf32>
    %sub3A_174 = arith.subf %select_n3A_169, %sub3A_173 : vector<1000x100xf32>
    %exp3A_175 = math.exp %sub3A_174 : vector<1000x100xf32>
    %reduce_sum3A_176 = arith.constant dense<0.000000e+00> : vector<1000xf32>
    %reduce_sum3A_177 = vector.multi_reduction <add>, %exp3A_175, %reduce_sum3A_176 [1] : vector<1000x100xf32> to vector<1000xf32>
    %broadcast_in_dim3A_178 = vector.shape_cast %reduce_sum3A_177 : vector<1000xf32> to vector<1000x1xf32>
    %div3A_179 = vector.broadcast %broadcast_in_dim3A_178 : vector<1000x1xf32> to vector<1000x100xf32>
    %div3A_180 = arith.divf %exp3A_175, %div3A_179 : vector<1000x100xf32>
    %dot_general3A_181 = arith.constant dense<0.000000e+00> : vector<1000x128xf32>
    %dot_general3A_182 = tpu.matmul %div3A_180, %dot_general3A_138, %dot_general3A_181 {dimension_numbers = #tpu.dot_dimension_numbers<[1], [0], [0], [1], [0, 0, 1, 1], [], []>, transpose_lhs_hint = false} : vector<1000x100xf32>, vector<100x128xf32>, vector<1000x128xf32> -> vector<1000x128xf32>
    %gt3A_183 = arith.constant 0.000000e+00 : f32
    %gt3A_184 = vector.broadcast %gt3A_183 : f32 to vector<1000x128xf32>
    %gt3A_185 = arith.cmpf ogt, %dot_general3A_182, %gt3A_184 : vector<1000x128xf32>
    %exp3A_186 = math.exp %dot_general3A_182 : vector<1000x128xf32>
    %sub3A_187 = arith.constant 1.000000e+00 : f32
    %sub3A_188 = vector.broadcast %sub3A_187 : f32 to vector<1000x128xf32>
    %sub3A_189 = arith.subf %exp3A_186, %sub3A_188 : vector<1000x128xf32>
    %select_n3A_190 = arith.select %gt3A_185, %dot_general3A_182, %sub3A_189 : vector<1000x128xi1>, vector<1000x128xf32>
    %jit3A_191 = arith.constant 4 : i32
    %div3A_192 = vector.broadcast %jit3A_191 : i32 to vector<128x128xi32>
    %div3A_193 = arith.divsi %iota3A, %div3A_192 : vector<128x128xi32>
    %sign3A_194 = arith.constant 0 : i32
    %sign3A_195 = vector.broadcast %sign3A_194 : i32 to vector<128x128xi32>
    %sign3A_196 = arith.cmpi sgt, %iota3A, %sign3A_195 : vector<128x128xi32>
    %sign3A_197 = arith.extui %sign3A_196 : vector<128x128xi1> to vector<128x128xi32>
    %sign3A_198 = arith.constant 0 : i32
    %sign3A_199 = vector.broadcast %sign3A_198 : i32 to vector<128x128xi32>
    %sign3A_200 = arith.cmpi slt, %iota3A, %sign3A_199 : vector<128x128xi32>
    %sign3A_201 = arith.extui %sign3A_200 : vector<128x128xi1> to vector<128x128xi32>
    %sign3A_202 = arith.subi %sign3A_197, %sign3A_201 : vector<128x128xi32>
    %sign3A_203 = arith.constant 0 : i32
    %sign3A_204 = arith.cmpi sgt, %jit3A_191, %sign3A_203 : i32
    %sign3A_205 = arith.extui %sign3A_204 : i1 to i32
    %sign3A_206 = arith.constant 0 : i32
    %sign3A_207 = arith.cmpi slt, %jit3A_191, %sign3A_206 : i32
    %sign3A_208 = arith.extui %sign3A_207 : i1 to i32
    %sign3A_209 = arith.subi %sign3A_205, %sign3A_208 : i32
    %ne3A_210 = vector.broadcast %sign3A_209 : i32 to vector<128x128xi32>
    %ne3A_211 = arith.cmpi ne, %sign3A_202, %ne3A_210 : vector<128x128xi32>
    %rem3A_212 = vector.broadcast %jit3A_191 : i32 to vector<128x128xi32>
    %rem3A_213 = arith.remsi %iota3A, %rem3A_212 : vector<128x128xi32>
    %ne3A_214 = arith.constant 0 : i32
    %ne3A_215 = vector.broadcast %ne3A_214 : i32 to vector<128x128xi32>
    %ne3A_216 = arith.cmpi ne, %rem3A_213, %ne3A_215 : vector<128x128xi32>
    %and3A_217 = arith.andi %ne3A_211, %ne3A_216 : vector<128x128xi1>
    %sub3A_218 = arith.constant 1 : i32
    %sub3A_219 = vector.broadcast %sub3A_218 : i32 to vector<128x128xi32>
    %sub3A_220 = arith.subi %div3A_193, %sub3A_219 : vector<128x128xi32>
    %select_n3A_221 = arith.select %and3A_217, %sub3A_220, %div3A_193 : vector<128x128xi1>, vector<128x128xi32>
    %add3A_222 = arith.constant 32 : i32
    %add3A_223 = vector.broadcast %add3A_222 : i32 to vector<128x128xi32>
    %add3A_224 = arith.addi %add3A_223, %select_n3A_221 : vector<128x128xi32>
    %eq3A_225 = arith.cmpi eq, %iota3A_38, %add3A_224 : vector<128x128xi32>
    %jit3A_226 = arith.constant 2.500000e-01 : f32
    %jit3A_227 = arith.constant 0.000000e+00 : f32
    %broadcast_in_dim3A_228 = vector.broadcast %jit3A_226 : f32 to vector<128x128xf32>
    %broadcast_in_dim3A_229 = vector.broadcast %jit3A_227 : f32 to vector<128x128xf32>
    %select_n3A_230 = arith.select %eq3A_225, %broadcast_in_dim3A_228, %broadcast_in_dim3A_229 : vector<128x128xi1>, vector<128x128xf32>
    %dot_general3A_231 = arith.constant dense<0.000000e+00> : vector<1000x128xf32>
    %dot_general3A_232 = tpu.matmul %select_n3A_190, %select_n3A_230, %dot_general3A_231 {dimension_numbers = #tpu.dot_dimension_numbers<[1], [0], [0], [1], [0, 0, 1, 1], [], []>, transpose_lhs_hint = false} : vector<1000x128xf32>, vector<128x128xf32>, vector<1000x128xf32> -> vector<1000x128xf32>
    %add3A_233 = arith.addf %add3A_129, %dot_general3A_232 : vector<1000x128xf32>
    %get3A_234 = arith.constant 2 : index
    %get3A_235 = arith.constant 0 : index
    %get3A_236 = arith.constant 0 : index
    %get3A_237 = vector.load %arg5[%get3A_234, %get3A_235, %get3A_236] : memref<4x128x128xf32, #tpu.memory_space<vmem>>, vector<1x128x128xf32>
    %get3A_238 = vector.shape_cast %get3A_237 : vector<1x128x128xf32> to vector<128x128xf32>
    %dot_general3A_239 = arith.constant dense<0.000000e+00> : vector<1000x128xf32>
    %dot_general3A_240 = tpu.matmul %get3A_1, %get3A_238, %dot_general3A_239 {dimension_numbers = #tpu.dot_dimension_numbers<[1], [0], [0], [1], [0, 0, 1, 1], [], []>, transpose_lhs_hint = false} : vector<1000x128xf32>, vector<128x128xf32>, vector<1000x128xf32> -> vector<1000x128xf32>
    %dot_general3A_241 = arith.constant dense<0.000000e+00> : vector<100x128xf32>
    %dot_general3A_242 = tpu.matmul %get3A_4, %get3A_238, %dot_general3A_241 {dimension_numbers = #tpu.dot_dimension_numbers<[1], [0], [0], [1], [0, 0, 1, 1], [], []>, transpose_lhs_hint = false} : vector<100x128xf32>, vector<128x128xf32>, vector<100x128xf32> -> vector<100x128xf32>
    %get3A_243 = arith.constant 2 : index
    %get3A_244 = arith.constant 0 : index
    %get3A_245 = arith.constant 0 : index
    %get3A_246 = vector.load %arg6[%get3A_243, %get3A_244, %get3A_245] : memref<4x128x1xf32, #tpu.memory_space<vmem>>, vector<1x128x1xf32>
    %get3A_247 = vector.shape_cast %get3A_246 : vector<1x128x1xf32> to vector<128x1xf32>
    %dot_general3A_248 = arith.constant dense<0.000000e+00> : vector<1000x1xf32>
    %dot_general3A_249 = tpu.matmul %dot_general3A_240, %get3A_247, %dot_general3A_248 {dimension_numbers = #tpu.dot_dimension_numbers<[1], [0], [0], [1], [0, 0, 1, 1], [], []>, transpose_lhs_hint = false} : vector<1000x128xf32>, vector<128x1xf32>, vector<1000x1xf32> -> vector<1000x1xf32>
    %get3A_250 = arith.constant 2 : index
    %get3A_251 = arith.constant 0 : index
    %get3A_252 = arith.constant 0 : index
    %get3A_253 = vector.load %arg7[%get3A_250, %get3A_251, %get3A_252] : memref<4x128x1xf32, #tpu.memory_space<vmem>>, vector<1x128x1xf32>
    %get3A_254 = vector.shape_cast %get3A_253 : vector<1x128x1xf32> to vector<128x1xf32>
    %dot_general3A_255 = arith.constant dense<0.000000e+00> : vector<100x1xf32>
    %dot_general3A_256 = tpu.matmul %dot_general3A_242, %get3A_254, %dot_general3A_255 {dimension_numbers = #tpu.dot_dimension_numbers<[1], [0], [0], [1], [0, 0, 1, 1], [], []>, transpose_lhs_hint = false} : vector<100x128xf32>, vector<128x1xf32>, vector<100x1xf32> -> vector<100x1xf32>
    %dot_general3A_257 = arith.constant dense<0.000000e+00> : vector<1000x100xf32>
    %dot_general3A_258 = tpu.matmul %broadcast_in_dim3A_37, %dot_general3A_256, %dot_general3A_257 {dimension_numbers = #tpu.dot_dimension_numbers<[1], [1], [0], [0], [0, 0, 1, 0], [], []>, transpose_lhs_hint = false} : vector<1000x1xf32>, vector<100x1xf32>, vector<1000x100xf32> -> vector<1000x100xf32>
    %add3A_259 = vector.broadcast %dot_general3A_249 : vector<1000x1xf32> to vector<1000x100xf32>
    %add3A_260 = arith.addf %add3A_259, %dot_general3A_258 : vector<1000x100xf32>
    %gt3A_261 = arith.constant 0.000000e+00 : f32
    %gt3A_262 = vector.broadcast %gt3A_261 : f32 to vector<1000x100xf32>
    %gt3A_263 = arith.cmpf ogt, %add3A_260, %gt3A_262 : vector<1000x100xf32>
    %mul3A_264 = arith.constant 2.000000e-01 : f32
    %mul3A_265 = vector.broadcast %mul3A_264 : f32 to vector<1000x100xf32>
    %mul3A_266 = arith.mulf %mul3A_265, %add3A_260 : vector<1000x100xf32>
    %select_n3A_267 = arith.select %gt3A_263, %add3A_260, %mul3A_266 : vector<1000x100xi1>, vector<1000x100xf32>
    %gt3A_268 = arith.constant 0.000000e+00 : f32
    %gt3A_269 = vector.broadcast %gt3A_268 : f32 to vector<1000x100xf32>
    %gt3A_270 = arith.cmpf ogt, %get3A_36, %gt3A_269 : vector<1000x100xf32>
    %jit3A_271 = arith.constant -9.000000e+15 : f32
    %broadcast_in_dim3A_272 = vector.broadcast %jit3A_271 : f32 to vector<1000x100xf32>
    %select_n3A_273 = arith.select %gt3A_270, %select_n3A_267, %broadcast_in_dim3A_272 : vector<1000x100xi1>, vector<1000x100xf32>
    %reduce_max3A_274 = arith.constant dense<0xFF800000> : vector<1000xf32>
    %reduce_max3A_275 = vector.multi_reduction <maximumf>, %select_n3A_273, %reduce_max3A_274 [1] : vector<1000x100xf32> to vector<1000xf32>
    %broadcast_in_dim3A_276 = vector.shape_cast %reduce_max3A_275 : vector<1000xf32> to vector<1000x1xf32>
    %sub3A_277 = vector.broadcast %broadcast_in_dim3A_276 : vector<1000x1xf32> to vector<1000x100xf32>
    %sub3A_278 = arith.subf %select_n3A_273, %sub3A_277 : vector<1000x100xf32>
    %exp3A_279 = math.exp %sub3A_278 : vector<1000x100xf32>
    %reduce_sum3A_280 = arith.constant dense<0.000000e+00> : vector<1000xf32>
    %reduce_sum3A_281 = vector.multi_reduction <add>, %exp3A_279, %reduce_sum3A_280 [1] : vector<1000x100xf32> to vector<1000xf32>
    %broadcast_in_dim3A_282 = vector.shape_cast %reduce_sum3A_281 : vector<1000xf32> to vector<1000x1xf32>
    %div3A_283 = vector.broadcast %broadcast_in_dim3A_282 : vector<1000x1xf32> to vector<1000x100xf32>
    %div3A_284 = arith.divf %exp3A_279, %div3A_283 : vector<1000x100xf32>
    %dot_general3A_285 = arith.constant dense<0.000000e+00> : vector<1000x128xf32>
    %dot_general3A_286 = tpu.matmul %div3A_284, %dot_general3A_242, %dot_general3A_285 {dimension_numbers = #tpu.dot_dimension_numbers<[1], [0], [0], [1], [0, 0, 1, 1], [], []>, transpose_lhs_hint = false} : vector<1000x100xf32>, vector<100x128xf32>, vector<1000x128xf32> -> vector<1000x128xf32>
    %gt3A_287 = arith.constant 0.000000e+00 : f32
    %gt3A_288 = vector.broadcast %gt3A_287 : f32 to vector<1000x128xf32>
    %gt3A_289 = arith.cmpf ogt, %dot_general3A_286, %gt3A_288 : vector<1000x128xf32>
    %exp3A_290 = math.exp %dot_general3A_286 : vector<1000x128xf32>
    %sub3A_291 = arith.constant 1.000000e+00 : f32
    %sub3A_292 = vector.broadcast %sub3A_291 : f32 to vector<1000x128xf32>
    %sub3A_293 = arith.subf %exp3A_290, %sub3A_292 : vector<1000x128xf32>
    %select_n3A_294 = arith.select %gt3A_289, %dot_general3A_286, %sub3A_293 : vector<1000x128xi1>, vector<1000x128xf32>
    %jit3A_295 = arith.constant 4 : i32
    %div3A_296 = vector.broadcast %jit3A_295 : i32 to vector<128x128xi32>
    %div3A_297 = arith.divsi %iota3A, %div3A_296 : vector<128x128xi32>
    %sign3A_298 = arith.constant 0 : i32
    %sign3A_299 = vector.broadcast %sign3A_298 : i32 to vector<128x128xi32>
    %sign3A_300 = arith.cmpi sgt, %iota3A, %sign3A_299 : vector<128x128xi32>
    %sign3A_301 = arith.extui %sign3A_300 : vector<128x128xi1> to vector<128x128xi32>
    %sign3A_302 = arith.constant 0 : i32
    %sign3A_303 = vector.broadcast %sign3A_302 : i32 to vector<128x128xi32>
    %sign3A_304 = arith.cmpi slt, %iota3A, %sign3A_303 : vector<128x128xi32>
    %sign3A_305 = arith.extui %sign3A_304 : vector<128x128xi1> to vector<128x128xi32>
    %sign3A_306 = arith.subi %sign3A_301, %sign3A_305 : vector<128x128xi32>
    %sign3A_307 = arith.constant 0 : i32
    %sign3A_308 = arith.cmpi sgt, %jit3A_295, %sign3A_307 : i32
    %sign3A_309 = arith.extui %sign3A_308 : i1 to i32
    %sign3A_310 = arith.constant 0 : i32
    %sign3A_311 = arith.cmpi slt, %jit3A_295, %sign3A_310 : i32
    %sign3A_312 = arith.extui %sign3A_311 : i1 to i32
    %sign3A_313 = arith.subi %sign3A_309, %sign3A_312 : i32
    %ne3A_314 = vector.broadcast %sign3A_313 : i32 to vector<128x128xi32>
    %ne3A_315 = arith.cmpi ne, %sign3A_306, %ne3A_314 : vector<128x128xi32>
    %rem3A_316 = vector.broadcast %jit3A_295 : i32 to vector<128x128xi32>
    %rem3A_317 = arith.remsi %iota3A, %rem3A_316 : vector<128x128xi32>
    %ne3A_318 = arith.constant 0 : i32
    %ne3A_319 = vector.broadcast %ne3A_318 : i32 to vector<128x128xi32>
    %ne3A_320 = arith.cmpi ne, %rem3A_317, %ne3A_319 : vector<128x128xi32>
    %and3A_321 = arith.andi %ne3A_315, %ne3A_320 : vector<128x128xi1>
    %sub3A_322 = arith.constant 1 : i32
    %sub3A_323 = vector.broadcast %sub3A_322 : i32 to vector<128x128xi32>
    %sub3A_324 = arith.subi %div3A_297, %sub3A_323 : vector<128x128xi32>
    %select_n3A_325 = arith.select %and3A_321, %sub3A_324, %div3A_297 : vector<128x128xi1>, vector<128x128xi32>
    %add3A_326 = arith.constant 64 : i32
    %add3A_327 = vector.broadcast %add3A_326 : i32 to vector<128x128xi32>
    %add3A_328 = arith.addi %add3A_327, %select_n3A_325 : vector<128x128xi32>
    %eq3A_329 = arith.cmpi eq, %iota3A_38, %add3A_328 : vector<128x128xi32>
    %jit3A_330 = arith.constant 2.500000e-01 : f32
    %jit3A_331 = arith.constant 0.000000e+00 : f32
    %broadcast_in_dim3A_332 = vector.broadcast %jit3A_330 : f32 to vector<128x128xf32>
    %broadcast_in_dim3A_333 = vector.broadcast %jit3A_331 : f32 to vector<128x128xf32>
    %select_n3A_334 = arith.select %eq3A_329, %broadcast_in_dim3A_332, %broadcast_in_dim3A_333 : vector<128x128xi1>, vector<128x128xf32>
    %dot_general3A_335 = arith.constant dense<0.000000e+00> : vector<1000x128xf32>
    %dot_general3A_336 = tpu.matmul %select_n3A_294, %select_n3A_334, %dot_general3A_335 {dimension_numbers = #tpu.dot_dimension_numbers<[1], [0], [0], [1], [0, 0, 1, 1], [], []>, transpose_lhs_hint = false} : vector<1000x128xf32>, vector<128x128xf32>, vector<1000x128xf32> -> vector<1000x128xf32>
    %add3A_337 = arith.addf %add3A_233, %dot_general3A_336 : vector<1000x128xf32>
    %get3A_338 = arith.constant 3 : index
    %get3A_339 = arith.constant 0 : index
    %get3A_340 = arith.constant 0 : index
    %get3A_341 = vector.load %arg5[%get3A_338, %get3A_339, %get3A_340] : memref<4x128x128xf32, #tpu.memory_space<vmem>>, vector<1x128x128xf32>
    %get3A_342 = vector.shape_cast %get3A_341 : vector<1x128x128xf32> to vector<128x128xf32>
    %dot_general3A_343 = arith.constant dense<0.000000e+00> : vector<1000x128xf32>
    %dot_general3A_344 = tpu.matmul %get3A_1, %get3A_342, %dot_general3A_343 {dimension_numbers = #tpu.dot_dimension_numbers<[1], [0], [0], [1], [0, 0, 1, 1], [], []>, transpose_lhs_hint = false} : vector<1000x128xf32>, vector<128x128xf32>, vector<1000x128xf32> -> vector<1000x128xf32>
    %dot_general3A_345 = arith.constant dense<0.000000e+00> : vector<100x128xf32>
    %dot_general3A_346 = tpu.matmul %get3A_4, %get3A_342, %dot_general3A_345 {dimension_numbers = #tpu.dot_dimension_numbers<[1], [0], [0], [1], [0, 0, 1, 1], [], []>, transpose_lhs_hint = false} : vector<100x128xf32>, vector<128x128xf32>, vector<100x128xf32> -> vector<100x128xf32>
    %get3A_347 = arith.constant 3 : index
    %get3A_348 = arith.constant 0 : index
    %get3A_349 = arith.constant 0 : index
    %get3A_350 = vector.load %arg6[%get3A_347, %get3A_348, %get3A_349] : memref<4x128x1xf32, #tpu.memory_space<vmem>>, vector<1x128x1xf32>
    %get3A_351 = vector.shape_cast %get3A_350 : vector<1x128x1xf32> to vector<128x1xf32>
    %dot_general3A_352 = arith.constant dense<0.000000e+00> : vector<1000x1xf32>
    %dot_general3A_353 = tpu.matmul %dot_general3A_344, %get3A_351, %dot_general3A_352 {dimension_numbers = #tpu.dot_dimension_numbers<[1], [0], [0], [1], [0, 0, 1, 1], [], []>, transpose_lhs_hint = false} : vector<1000x128xf32>, vector<128x1xf32>, vector<1000x1xf32> -> vector<1000x1xf32>
    %get3A_354 = arith.constant 3 : index
    %get3A_355 = arith.constant 0 : index
    %get3A_356 = arith.constant 0 : index
    %get3A_357 = vector.load %arg7[%get3A_354, %get3A_355, %get3A_356] : memref<4x128x1xf32, #tpu.memory_space<vmem>>, vector<1x128x1xf32>
    %get3A_358 = vector.shape_cast %get3A_357 : vector<1x128x1xf32> to vector<128x1xf32>
    %dot_general3A_359 = arith.constant dense<0.000000e+00> : vector<100x1xf32>
    %dot_general3A_360 = tpu.matmul %dot_general3A_346, %get3A_358, %dot_general3A_359 {dimension_numbers = #tpu.dot_dimension_numbers<[1], [0], [0], [1], [0, 0, 1, 1], [], []>, transpose_lhs_hint = false} : vector<100x128xf32>, vector<128x1xf32>, vector<100x1xf32> -> vector<100x1xf32>
    %dot_general3A_361 = arith.constant dense<0.000000e+00> : vector<1000x100xf32>
    %dot_general3A_362 = tpu.matmul %broadcast_in_dim3A_37, %dot_general3A_360, %dot_general3A_361 {dimension_numbers = #tpu.dot_dimension_numbers<[1], [1], [0], [0], [0, 0, 1, 0], [], []>, transpose_lhs_hint = false} : vector<1000x1xf32>, vector<100x1xf32>, vector<1000x100xf32> -> vector<1000x100xf32>
    %add3A_363 = vector.broadcast %dot_general3A_353 : vector<1000x1xf32> to vector<1000x100xf32>
    %add3A_364 = arith.addf %add3A_363, %dot_general3A_362 : vector<1000x100xf32>
    %gt3A_365 = arith.constant 0.000000e+00 : f32
    %gt3A_366 = vector.broadcast %gt3A_365 : f32 to vector<1000x100xf32>
    %gt3A_367 = arith.cmpf ogt, %add3A_364, %gt3A_366 : vector<1000x100xf32>
    %mul3A_368 = arith.constant 2.000000e-01 : f32
    %mul3A_369 = vector.broadcast %mul3A_368 : f32 to vector<1000x100xf32>
    %mul3A_370 = arith.mulf %mul3A_369, %add3A_364 : vector<1000x100xf32>
    %select_n3A_371 = arith.select %gt3A_367, %add3A_364, %mul3A_370 : vector<1000x100xi1>, vector<1000x100xf32>
    %gt3A_372 = arith.constant 0.000000e+00 : f32
    %gt3A_373 = vector.broadcast %gt3A_372 : f32 to vector<1000x100xf32>
    %gt3A_374 = arith.cmpf ogt, %get3A_36, %gt3A_373 : vector<1000x100xf32>
    %jit3A_375 = arith.constant -9.000000e+15 : f32
    %broadcast_in_dim3A_376 = vector.broadcast %jit3A_375 : f32 to vector<1000x100xf32>
    %select_n3A_377 = arith.select %gt3A_374, %select_n3A_371, %broadcast_in_dim3A_376 : vector<1000x100xi1>, vector<1000x100xf32>
    %reduce_max3A_378 = arith.constant dense<0xFF800000> : vector<1000xf32>
    %reduce_max3A_379 = vector.multi_reduction <maximumf>, %select_n3A_377, %reduce_max3A_378 [1] : vector<1000x100xf32> to vector<1000xf32>
    %broadcast_in_dim3A_380 = vector.shape_cast %reduce_max3A_379 : vector<1000xf32> to vector<1000x1xf32>
    %sub3A_381 = vector.broadcast %broadcast_in_dim3A_380 : vector<1000x1xf32> to vector<1000x100xf32>
    %sub3A_382 = arith.subf %select_n3A_377, %sub3A_381 : vector<1000x100xf32>
    %exp3A_383 = math.exp %sub3A_382 : vector<1000x100xf32>
    %reduce_sum3A_384 = arith.constant dense<0.000000e+00> : vector<1000xf32>
    %reduce_sum3A_385 = vector.multi_reduction <add>, %exp3A_383, %reduce_sum3A_384 [1] : vector<1000x100xf32> to vector<1000xf32>
    %broadcast_in_dim3A_386 = vector.shape_cast %reduce_sum3A_385 : vector<1000xf32> to vector<1000x1xf32>
    %div3A_387 = vector.broadcast %broadcast_in_dim3A_386 : vector<1000x1xf32> to vector<1000x100xf32>
    %div3A_388 = arith.divf %exp3A_383, %div3A_387 : vector<1000x100xf32>
    %dot_general3A_389 = arith.constant dense<0.000000e+00> : vector<1000x128xf32>
    %dot_general3A_390 = tpu.matmul %div3A_388, %dot_general3A_346, %dot_general3A_389 {dimension_numbers = #tpu.dot_dimension_numbers<[1], [0], [0], [1], [0, 0, 1, 1], [], []>, transpose_lhs_hint = false} : vector<1000x100xf32>, vector<100x128xf32>, vector<1000x128xf32> -> vector<1000x128xf32>
    %gt3A_391 = arith.constant 0.000000e+00 : f32
    %gt3A_392 = vector.broadcast %gt3A_391 : f32 to vector<1000x128xf32>
    %gt3A_393 = arith.cmpf ogt, %dot_general3A_390, %gt3A_392 : vector<1000x128xf32>
    %exp3A_394 = math.exp %dot_general3A_390 : vector<1000x128xf32>
    %sub3A_395 = arith.constant 1.000000e+00 : f32
    %sub3A_396 = vector.broadcast %sub3A_395 : f32 to vector<1000x128xf32>
    %sub3A_397 = arith.subf %exp3A_394, %sub3A_396 : vector<1000x128xf32>
    %select_n3A_398 = arith.select %gt3A_393, %dot_general3A_390, %sub3A_397 : vector<1000x128xi1>, vector<1000x128xf32>
    %jit3A_399 = arith.constant 4 : i32
    %div3A_400 = vector.broadcast %jit3A_399 : i32 to vector<128x128xi32>
    %div3A_401 = arith.divsi %iota3A, %div3A_400 : vector<128x128xi32>
    %sign3A_402 = arith.constant 0 : i32
    %sign3A_403 = vector.broadcast %sign3A_402 : i32 to vector<128x128xi32>
    %sign3A_404 = arith.cmpi sgt, %iota3A, %sign3A_403 : vector<128x128xi32>
    %sign3A_405 = arith.extui %sign3A_404 : vector<128x128xi1> to vector<128x128xi32>
    %sign3A_406 = arith.constant 0 : i32
    %sign3A_407 = vector.broadcast %sign3A_406 : i32 to vector<128x128xi32>
    %sign3A_408 = arith.cmpi slt, %iota3A, %sign3A_407 : vector<128x128xi32>
    %sign3A_409 = arith.extui %sign3A_408 : vector<128x128xi1> to vector<128x128xi32>
    %sign3A_410 = arith.subi %sign3A_405, %sign3A_409 : vector<128x128xi32>
    %sign3A_411 = arith.constant 0 : i32
    %sign3A_412 = arith.cmpi sgt, %jit3A_399, %sign3A_411 : i32
    %sign3A_413 = arith.extui %sign3A_412 : i1 to i32
    %sign3A_414 = arith.constant 0 : i32
    %sign3A_415 = arith.cmpi slt, %jit3A_399, %sign3A_414 : i32
    %sign3A_416 = arith.extui %sign3A_415 : i1 to i32
    %sign3A_417 = arith.subi %sign3A_413, %sign3A_416 : i32
    %ne3A_418 = vector.broadcast %sign3A_417 : i32 to vector<128x128xi32>
    %ne3A_419 = arith.cmpi ne, %sign3A_410, %ne3A_418 : vector<128x128xi32>
    %rem3A_420 = vector.broadcast %jit3A_399 : i32 to vector<128x128xi32>
    %rem3A_421 = arith.remsi %iota3A, %rem3A_420 : vector<128x128xi32>
    %ne3A_422 = arith.constant 0 : i32
    %ne3A_423 = vector.broadcast %ne3A_422 : i32 to vector<128x128xi32>
    %ne3A_424 = arith.cmpi ne, %rem3A_421, %ne3A_423 : vector<128x128xi32>
    %and3A_425 = arith.andi %ne3A_419, %ne3A_424 : vector<128x128xi1>
    %sub3A_426 = arith.constant 1 : i32
    %sub3A_427 = vector.broadcast %sub3A_426 : i32 to vector<128x128xi32>
    %sub3A_428 = arith.subi %div3A_401, %sub3A_427 : vector<128x128xi32>
    %select_n3A_429 = arith.select %and3A_425, %sub3A_428, %div3A_401 : vector<128x128xi1>, vector<128x128xi32>
    %add3A_430 = arith.constant 96 : i32
    %add3A_431 = vector.broadcast %add3A_430 : i32 to vector<128x128xi32>
    %add3A_432 = arith.addi %add3A_431, %select_n3A_429 : vector<128x128xi32>
    %eq3A_433 = arith.cmpi eq, %iota3A_38, %add3A_432 : vector<128x128xi32>
    %jit3A_434 = arith.constant 2.500000e-01 : f32
    %jit3A_435 = arith.constant 0.000000e+00 : f32
    %broadcast_in_dim3A_436 = vector.broadcast %jit3A_434 : f32 to vector<128x128xf32>
    %broadcast_in_dim3A_437 = vector.broadcast %jit3A_435 : f32 to vector<128x128xf32>
    %select_n3A_438 = arith.select %eq3A_433, %broadcast_in_dim3A_436, %broadcast_in_dim3A_437 : vector<128x128xi1>, vector<128x128xf32>
    %dot_general3A_439 = arith.constant dense<0.000000e+00> : vector<1000x128xf32>
    %dot_general3A_440 = tpu.matmul %select_n3A_398, %select_n3A_438, %dot_general3A_439 {dimension_numbers = #tpu.dot_dimension_numbers<[1], [0], [0], [1], [0, 0, 1, 1], [], []>, transpose_lhs_hint = false} : vector<1000x128xf32>, vector<128x128xf32>, vector<1000x128xf32> -> vector<1000x128xf32>
    %add3A_441 = arith.addf %add3A_337, %dot_general3A_440 : vector<1000x128xf32>
    %swap3A_442 = arith.constant 0 : index
    %swap3A_443 = arith.constant 0 : index
    %swap3A_444 = vector.load %arg12[%swap3A_442, %swap3A_443] : memref<1000x128xf32, #tpu.memory_space<vmem>>, vector<1000x128xf32>
    tpu.vector_store %arg12[%swap3A_442, %swap3A_443], %add3A_441 {strides = array<i32>} : memref<1000x128xf32, #tpu.memory_space<vmem>>, vector<1000x128xf32>,
    %broadcast_in_dim3A_445 = arith.constant 0.000000e+00 : f32
    %broadcast_in_dim3A_446 = vector.broadcast %broadcast_in_dim3A_445 : f32 to vector<8x128xf32>
    %swap3A_447 = arith.constant 0 : index
    %swap3A_448 = arith.constant 0 : index
    %swap3A_449 = vector.load %arg15[%swap3A_447, %swap3A_448] : memref<1008x128xf32, #tpu.memory_space<vmem>>, vector<1000x128xf32>
    tpu.vector_store %arg15[%swap3A_447, %swap3A_448], %add3A_441 {strides = array<i32>} : memref<1008x128xf32, #tpu.memory_space<vmem>>, vector<1000x128xf32>,
    %swap3A_450 = arith.constant 1000 : index
    %swap3A_451 = arith.constant 0 : index
    %swap3A_452 = vector.load %arg15[%swap3A_450, %swap3A_451] : memref<1008x128xf32, #tpu.memory_space<vmem>>, vector<8x128xf32>
    tpu.vector_store %arg15[%swap3A_450, %swap3A_451], %broadcast_in_dim3A_446 {strides = array<i32>} : memref<1008x128xf32, #tpu.memory_space<vmem>>, vector<8x128xf32>,
    %broadcast_in_dim3A_453 = arith.constant 0.000000e+00 : f32
    %broadcast_in_dim3A_454 = vector.broadcast %broadcast_in_dim3A_453 : f32 to vector<1000x128xf32>
    %concatenate3A = tpu.concatenate %broadcast_in_dim3A_454, %add3A_441 in 1 : vector<1000x128xf32>, vector<1000x128xf32> -> vector<1000x256xf32>
    %swap3A_455 = arith.constant 0 : index
    %swap3A_456 = arith.constant 0 : index
    %swap3A_457 = vector.load %arg16[%swap3A_455, %swap3A_456] : memref<2008x256xf32, #tpu.memory_space<vmem>>, vector<1000x256xf32>
    tpu.vector_store %arg16[%swap3A_455, %swap3A_456], %concatenate3A {strides = array<i32>} : memref<2008x256xf32, #tpu.memory_space<vmem>>, vector<1000x256xf32>,
    %concatenate3A_458 = tpu.concatenate %add3A_441, %broadcast_in_dim3A_454 in 1 : vector<1000x128xf32>, vector<1000x128xf32> -> vector<1000x256xf32>
    %swap3A_459 = arith.constant 1000 : index
    %swap3A_460 = arith.constant 0 : index
    %swap3A_461 = vector.load %arg16[%swap3A_459, %swap3A_460] : memref<2008x256xf32, #tpu.memory_space<vmem>>, vector<1000x256xf32>
    tpu.vector_store %arg16[%swap3A_459, %swap3A_460], %concatenate3A_458 {strides = array<i32>} : memref<2008x256xf32, #tpu.memory_space<vmem>>, vector<1000x256xf32>,
    %concatenate3A_462 = tpu.concatenate %broadcast_in_dim3A_446, %broadcast_in_dim3A_446 in 1 : vector<8x128xf32>, vector<8x128xf32> -> vector<8x256xf32>
    %swap3A_463 = arith.constant 2000 : index
    %swap3A_464 = arith.constant 0 : index
    %swap3A_465 = vector.load %arg16[%swap3A_463, %swap3A_464] : memref<2008x256xf32, #tpu.memory_space<vmem>>, vector<8x256xf32>
    tpu.vector_store %arg16[%swap3A_463, %swap3A_464], %concatenate3A_462 {strides = array<i32>} : memref<2008x256xf32, #tpu.memory_space<vmem>>, vector<8x256xf32>,
    %get3A_466 = arith.constant 0 : index
    %get3A_467 = arith.constant 0 : index
    %get3A_468 = vector.load %arg10[%get3A_466, %get3A_467] : memref<1024x200xi32, #tpu.memory_space<vmem>>, vector<1024x200xi32>
    %transpose3A = tpu.transpose %get3A_468, [1, 0] : vector<1024x200xi32> -> vector<200x1024xi32>
    %eq3A_469 = arith.constant 0 : i32
    %eq3A_470 = vector.broadcast %eq3A_469 : i32 to vector<200x1024xi32>
    %eq3A_471 = arith.cmpi eq, %transpose3A, %eq3A_470 : vector<200x1024xi32>
    %sub3A_472 = arith.constant 1 : i32
    %sub3A_473 = vector.broadcast %sub3A_472 : i32 to vector<200x1024xi32>
    %sub3A_474 = arith.subi %transpose3A, %sub3A_473 : vector<200x1024xi32>
    %jit3A_475 = arith.constant 1000 : i32
    %broadcast_in_dim3A_476 = vector.broadcast %jit3A_475 : i32 to vector<200x1024xi32>
    %select_n3A_477 = arith.select %eq3A_471, %broadcast_in_dim3A_476, %sub3A_474 : vector<200x1024xi1>, vector<200x1024xi32>
    %swap3A_478 = arith.constant 0 : index
    %swap3A_479 = arith.constant 0 : index
    %swap3A_480 = vector.load %arg17[%swap3A_478, %swap3A_479] : memref<200x1024xi32, #tpu.memory_space<vmem>>, vector<200x1024xi32>
    tpu.vector_store %arg17[%swap3A_478, %swap3A_479], %select_n3A_477 {strides = array<i32>} : memref<200x1024xi32, #tpu.memory_space<vmem>>, vector<200x1024xi32>,
    %get3A_481 = arith.constant 0 : index
    %get3A_482 = arith.constant 0 : index
    %get3A_483 = vector.load %arg11[%get3A_481, %get3A_482] : memref<1024x200xi32, #tpu.memory_space<vmem>>, vector<1024x200xi32>
    %transpose3A_484 = tpu.transpose %get3A_483, [1, 0] : vector<1024x200xi32> -> vector<200x1024xi32>
    %eq3A_485 = arith.constant 0 : i32
    %eq3A_486 = vector.broadcast %eq3A_485 : i32 to vector<200x1024xi32>
    %eq3A_487 = arith.cmpi eq, %transpose3A_484, %eq3A_486 : vector<200x1024xi32>
    %sub3A_488 = arith.constant 1 : i32
    %sub3A_489 = vector.broadcast %sub3A_488 : i32 to vector<200x1024xi32>
    %sub3A_490 = arith.subi %transpose3A_484, %sub3A_489 : vector<200x1024xi32>
    %jit3A_491 = arith.constant 2000 : i32
    %broadcast_in_dim3A_492 = vector.broadcast %jit3A_491 : i32 to vector<200x1024xi32>
    %select_n3A_493 = arith.select %eq3A_487, %broadcast_in_dim3A_492, %sub3A_490 : vector<200x1024xi1>, vector<200x1024xi32>
    %swap3A_494 = arith.constant 0 : index
    %swap3A_495 = arith.constant 0 : index
    %swap3A_496 = vector.load %arg18[%swap3A_494, %swap3A_495] : memref<200x1024xi32, #tpu.memory_space<vmem>>, vector<200x1024xi32>
    tpu.vector_store %arg18[%swap3A_494, %swap3A_495], %select_n3A_493 {strides = array<i32>} : memref<200x1024xi32, #tpu.memory_space<vmem>>, vector<200x1024xi32>,
    return
  }
}

</mosaic_0001>

<sc_bundles>
// kernel: kernel.4.cloned.1.call-start
scs
__scs_entry_jumppad:
0x0: {  	(pc) =	sbr.rel $0x88, $3  }
0x1: {  	(tag) =	ssettag $0x0;
	lr =	simm.s32 $0x1  }
0x2: {  	[smem:$0x3F96] =	sst lr;
	_ =	strace $0xD0000000  }
0x3: {  	_ = 	snop  }
0x4: {  	_ = 	snop  }
0x5: {  	_ = 	snop  }
0x6: {  	_ = 	snop  }
0x7: {  	_ = 	snop  }
__scs_overlays_trampoline_lowered:
0x8: {  	[smem:$0x3FA5] =	sst s0  }
0x9: {  	[smem:$0x3FA6] =	sst s1  }
0xa: {  	[smem:$0x3FA7] =	sst s2  }
0xb: {  	[smem:$0x3FA8] =	sst s3  }
0xc: {  	[smem:$0x3FA9] =	sst s4  }
0xd: {  	[smem:$0x3FAA] =	sst s5  }
0xe: {  	[smem:$0x3FAB] =	sst s6  }
0xf: {  	[smem:$0x3FAC] =	sst s7  }
0x10: {  	[smem:$0x3FAD] =	sst s8  }
0x11: {  	[smem:$0x3FAE] =	sst s9;
	s0 =	simm.s32 @!p0 $0x0  }
0x12: {  	s1 =	sld [smem:$0x3F94];
	s0 =	simm.s32 @p0 $0x1  }
0x13: {  	[smem:$0x3FAF] =	sst s0;
	s0 =	simm.s32 @!p1 $0x0  }
0x14: {  	s2 =	sld [smem:$0x3F93];
	s0 =	simm.s32 @p1 $0x1  }
0x15: {  	[smem:$0x3FB0] =	sst s0;
	s0 =	simm.s32 @!p2 $0x0  }
0x16: {  	s3 =	sld [smem:$0x3FDB];
	s0 =	simm.s32 @p2 $0x1  }
0x17: {  	s4 =	simm.s32 $0x1BF5;
	[smem:$0x3FB2] =	sst s0  }
0x18: {  	s0 =	sld [smem:$0x3F95];
	_ =	swait.ge [sflag:s4], $0x0  }
0x19: {  	s7 =	sld [smem:$0x3F96]  }
0x1a: {  	s8 =	sadd.s32 $0xFFFFE003, lr  }
0x1b: {  	s9 =	sadd.s32 $0xFFFFFEF7, lr;
	s5 =	simm.s32 $0xFFFFFFFF;
	p2 =	slt.u32 s8, $0xFFFFF086  }
0x1c: {  	p1 =	slt.u32 s9, $0xF7A;
	s5 =	simm.s32 @!p2 $0x0  }
0x1d: {  	s5 =	simm.s32 @p1 $0x1;
	p0 =	seq.s32 s7, s2  }
0x1e: {  	s7 =	smul.u32 @!p0 $0xF7A, s2;
	p2 =	seq.s32 @!p0 s5, $0x0  }
0x1f: {  	s9 =	smul.u32 $0xF7A, s1;
	s8 =	simm.s32 @!p0 $0x1BF5;
	p2 =	por !p2, p0  }
0x20: {  	[sflag:s8] =	ssyncset.s32 @!p0 $0xFFFFF086;
	s6 =	sadd.s32 @!p0 s3, s7;
	s7 =	simm.s32 @!p0 $0x108  }
0x21: {  	s3 =	sadd.s32 s3, s9;
	s6 =	sadd.s32 @!p0 $0x88, s6;
	s7 =	simm.s32 @p2 $0x1082  }
0x22: {  	[simem:s7], [sflag:s8] =	dma.local @!p0 [hbm:s6], $0xF7A  }
0x23: {  	s9 =	sor.u32 $0xD0000000, s2;
	s6 =	simm.s32 $0x108;
	_ =	swait.ge @!p0 [sflag:s8], $0x0  }
0x24: {  	s3 =	sadd.s32 $0x88, s3;
	s6 =	simm.s32 @!p1 $0x1082;
	[sflag:s4] =	ssyncset.s32 $0xFFFFF086  }
0x25: {  	[simem:s6], [sflag:s4] =	dma.local [hbm:s3], $0xF7A  }
0x26: {  	[smem:$0x3F96] =	sst s1;
	(tag) =	ssettag s2;
	_ =	strace s9  }
0x27: {  	s1 =	sld [smem:$0x3FA6]  }
0x28: {  	s2 =	sld [smem:$0x3FA7]  }
0x29: {  	s4 =	sld [smem:$0x3FA9]  }
0x2a: {  	p0 =	seq.s32 s5, $0x0;
	s5 =	sld [smem:$0x3FAA]  }
0x2b: {  	s6 =	sld [smem:$0x3FAB]  }
0x2c: {  	s7 =	sld [smem:$0x3FAC]  }
0x2d: {  	s3 =	simm.s32 $0x108;
	s8 =	sld [smem:$0x3FAD]  }
0x2e: {  	s3 =	simm.s32 @!p0 $0x1082;
	s9 =	sld [smem:$0x3FAE]  }
0x2f: {  	lr =	sadd.s32 s0, s3;
	s0 =	sld [smem:$0x3FA5]  }
0x30: {  	s3 =	sld [smem:$0x3FA8]  }
0x31: {  	[smem:$0x3FB1] =	sst s10  }
0x32: {  	s10 =	sld [smem:$0x3FAF];
	_ =	sdelay $0x3  }
0x33: {  	p0 =	seq.s32 s10, $0x1;
	s10 =	sld [smem:$0x3FB1];
	_ =	sdelay $0x3  }
0x34: {  	[smem:$0x3FB1] =	sst s10  }
0x35: {  	s10 =	sld [smem:$0x3FB0];
	_ =	sdelay $0x3  }
0x36: {  	p1 =	seq.s32 s10, $0x1;
	s10 =	sld [smem:$0x3FB1];
	_ =	sdelay $0x3  }
0x37: {  	[smem:$0x3FB1] =	sst s10  }
0x38: {  	s10 =	sld [smem:$0x3FB2]  }
0x39: {  	_ = 	snop;
	(pc) =	sbr.ind lr, $3  }
0x3a: {  	_ = 	snop  }
0x3b: {  	_ = 	snop  }
0x3c: {  	p2 =	seq.s32 s10, $0x1;
	s10 =	sld [smem:$0x3FB1]  }
0x3d: {  	_ =	shalt  }
0x3e: {  	_ =	shalt  }
0x3f: {  	_ =	shalt  }
0x40: {  	_ =	shalt  }
0x41: {  	_ =	shalt  }
0x42: {  	_ =	shalt  }
0x43: {  	_ =	shalt  }
0x44: {  	_ =	shalt  }
0x45: {  	_ =	shalt  }
0x46: {  	_ =	shalt  }
0x47: {  	_ =	shalt  }
0x48: {  	_ =	shalt  }
0x49: {  	_ =	shalt  }
0x4a: {  	_ =	shalt  }
0x4b: {  	_ =	shalt  }
0x4c: {  	_ =	shalt  }
0x4d: {  	_ =	shalt  }
0x4e: {  	_ =	shalt  }
0x4f: {  	_ =	shalt  }
0x50: {  	_ =	shalt  }
0x51: {  	_ =	shalt  }
0x52: {  	_ =	shalt  }
0x53: {  	_ =	shalt  }
0x54: {  	_ =	shalt  }
0x55: {  	_ =	shalt  }
0x56: {  	_ =	shalt  }
0x57: {  	_ =	shalt  }
0x58: {  	_ =	shalt  }
0x59: {  	_ =	shalt  }
0x5a: {  	_ =	shalt  }
0x5b: {  	_ =	shalt  }
0x5c: {  	_ =	shalt  }
0x5d: {  	_ =	shalt  }
0x5e: {  	_ =	shalt  }
0x5f: {  	_ =	shalt  }
0x60: {  	_ =	shalt  }
0x61: {  	_ =	shalt  }
0x62: {  	_ =	shalt  }
0x63: {  	_ =	shalt  }
0x64: {  	_ =	shalt  }
0x65: {  	_ =	shalt  }
0x66: {  	_ =	shalt  }
0x67: {  	_ =	shalt  }
0x68: {  	_ =	shalt  }
0x69: {  	_ =	shalt  }
0x6a: {  	_ =	shalt  }
0x6b: {  	_ =	shalt  }
0x6c: {  	_ =	shalt  }
0x6d: {  	_ =	shalt  }
0x6e: {  	_ =	shalt  }
0x6f: {  	_ =	shalt  }
0x70: {  	_ =	shalt  }
0x71: {  	_ =	shalt  }
0x72: {  	_ =	shalt  }
0x73: {  	_ =	shalt  }
0x74: {  	_ =	shalt  }
0x75: {  	_ =	shalt  }
0x76: {  	_ =	shalt  }
0x77: {  	_ =	shalt  }
0x78: {  	_ =	shalt  }
0x79: {  	_ =	shalt  }
0x7a: {  	_ =	shalt  }
0x7b: {  	_ =	shalt  }
0x7c: {  	_ =	shalt  }
0x7d: {  	_ =	shalt  }
0x7e: {  	_ =	shalt  }
0x7f: {  	_ =	shalt  }
0x80: {  	_ =	shalt  }
0x81: {  	_ =	shalt  }
0x82: {  	_ =	shalt  }
0x83: {  	_ =	shalt  }
0x84: {  	_ =	shalt  }
0x85: {  	_ =	shalt  }
0x86: {  	_ =	shalt  }
0x87: {  	_ =	shalt  }
.Lfunc_end0:
.L_simem_size_0:
called_computation_lowered:
.L_overlay_start_0:
0x88: {  	s2 =	sld [smem:$0x3FD9]  }
0x89: {  	s3 =	sld [smem:$0x3FFE];
	_ =	sdelay $0x1  }
0x8a: {  	s1 =	srdreg.scid  }
0x8b: {  	s0 =	sand.u32 $0x1, s1  }
0x8c: {  	s14 =	sshll.u32 s0, $0xA;
	s2 =	sadd.s32 s3, s2  }
0x8d: {  	s2 =	sadd.s32 s2, s14  }
0x8e: {  	[smem:$0x3FBD] =	sst s2  }
0x8f: {  	_ = 	snop  }
0x90: {  	s2 =	sld [smem:$0x3FD0];
	_ =	sdelay $0x2  }
0x91: {  	s15 =	simm.s32 $0xA;
	s4 =	simm.s32 $0x10  }
0x92: {  	[smem:s4], [sflag:s15] =	dma.local [hbm:s2], $0x1  }
0x93: {  	_ =	swait.eq [sflag:s15], $0x1  }
0x94: {  	[sflag:s15] =	ssyncset.done $0x0  }
0x95: {  	s16 =	sld [smem:$0x10];
	[sflag:s15] =	ssyncadd.s32 $0xFFFFFFFF  }
0x96: {  	s17 =	sld [smem:$0x11];
	(tm) =	ssettm $0x1  }
0x97: {  	s18 =	sld [smem:$0x3FFB];
	_ =	sdelay $0x3  }
0x98: {  	_ =	strace s18  }
0x99: {  	s4 =	sld [smem:$0x3FFC];
	_ =	sdelay $0x3  }
0x9a: {  	_ =	strace s4  }
0x9b: {  	s4 =	sld [smem:$0x3FFD];
	_ =	sdelay $0x3  }
0x9c: {  	_ =	strace s4  }
0x9d: {  	_ =	strace $0x8FFFFFFF  }
0x9e: {  	s19 =	sld [smem:$0x3FDB];
	_ =	sdelay $0x1  }
0x9f: {  	s5 =	simm.s32 $_scs_section_size  }
0xa0: {  	s6 =	simm.s32 $_size__tile_overlayer_lowered;
	s7 =	simm.s32 $_tile_overlayer_lowered  }
0xa1: {  	s22 =	simm.s32 $0x1BFF;
	s21 =	sshll.u32 s7, $0x1;
	s4 =	sadd.s32 s5, s19  }
0xa2: {  	s8 =	simm.s32 $0x0;
	s20 =	sshll.u32 s6, $0x1;
	s6 =	sadd.s32 s21, s4  }
0xa3: {  	[timem:s8], [sflag:s22] =	dma.local [hbm:s6], s20  }
0xa4: {  	_ =	swait.ge [sflag:s22], s20  }
0xa5: {  	s5 =	ssub.s32 $0x0, s20;
	[sflag:s22] =	ssyncset.done $0x0  }
0xa6: {  	[sflag:s22] =	ssyncadd.s32 s5;
	_ =	sdelay $0x1  }
0xa7: {  	s23 =	simm.s32 $0x1B8B  }
0xa8: {  	_ =	swait.ge [sflag:s23], $0x1  }
0xa9: {  	[sflag:s23] =	ssyncset.done $0x0  }
0xaa: {  	s25 =	simm.s32 $0x1B8E;
	s24 =	sld [smem:$0x3FFE];
	[sflag:s23] =	ssyncadd.s32 $0xFFFFFFFF  }
0xab: {  	s26 =	simm.s32 $execute0_lowered;
	[smem:$0x3FD2] =	sst s25  }
0xac: {  	s6 =	sshll.u32 s26, $0x1;
	_ =	strace $0x80000046;
	[dreg:$0x1] =	wrdreg $0xFFFFFFFF  }
0xad: {  	s28 =	simm.s32 $_size_execute0_lowered;
	s4 =	sadd.s32 s4, s6;
	[dreg:$0x0] =	wrdreg $0x0  }
0xae: {  	s6 =	sshll.u32 s28, $0x1;
	[dreg:$0x2] =	wrdreg s4  }
0xaf: {  	[dreg:$0x3] =	wrdreg s6  }
0xb0: {  	[dreg:$0x4] =	wrdreg $0xC0  }
0xb1: {  	_ =	task [dreg:s8], $0x5FFFF  }
0xb2: {  	[dreg:$0x1] =	wrdreg $0xFFFFFFFF  }
0xb3: {  	[dreg:$0x0] =	wrdreg $0x60  }
0xb4: {  	[dreg:$0x2] =	wrdreg s24  }
0xb5: {  	[dreg:$0x3] =	wrdreg s17  }
0xb6: {  	[dreg:$0x4] =	wrdreg s16  }
0xb7: {  	[dreg:$0x5] =	wrdreg $0x9  }
0xb8: {  	_ =	task.clear_ibuf [dreg:s8], $0x6FFFF;
	_ =	strace $0x90000046  }
0xb9: {  	s29 =	simm.s32 $0x9;
	_ =	strace $0x80000048  }
0xba: {  	_ =	swait.ge [sflag:s29], $0x1  }
0xbb: {  	[sflag:s29] =	ssyncadd.s32 $0xFFFFFFFF  }
0xbc: {  	_ =	strace $0x90000048  }
0xbd: {  	_ =	sfence  }
0xbe: {  	s30 =	sld [smem:$0x0];
	_ =	sdelay $0x2  }
0xbf: {  	s31 =	sshll.u32 s1, $0xD;
	s1 =	sshrl.u32 s1, $0x2  }
0xc0: {  	s3 =	sand.u32 $0x4000, s31;
	s1 =	sadd.s32 s1, s30  }
0xc1: {  	s0 =	sor.u32 s3, s0;
	s1 =	sshll.u32 s1, $0x11  }
0xc2: {  	s0 =	sor.u32 s1, s0  }
0xc3: {  	s0 =	sadd.s32 $0x8F2B, s0  }
0xc4: {  	[sflag:s0] =	ssyncadd.remote.s32 $0x1  }
0xc5: {  	_ =	sfence.sel $0xFFFF  }
0xc6: {  	[dreg:$0x0] =	wrdreg $0xFFFFFFFF;
	(pc) =	sbr.abs _section_cstart, $3  }
0xc7: {  	[dreg:$0x1] =	wrdreg $0xFFFFFFFF  }
0xc8: {  	_ =	task.clear_ibuf [dreg:s8], $0x2FFFF;
	_ =	strace $0x9FFFFFFF  }
0xc9: {  	(tm) =	ssettm $0x7FFFFFFF  }
tec
execute0_lowered:
.L_overlay_start_1:
0x0: {  	(tag) =	ssettag $0x1  }
0x1: {  	s0 =	srdreg.scid;
	s1 =	rddreg [dreg:$0x0]  }
0x2: {  	s5 =	rddreg [dreg:$0x1];
	s10 =	stileid.u32  }
0x3: {  	s6 =	rddreg [dreg:$0x2];
	s16 =	simm.s32 $0xBA00;
	s0 =	sand.u32 $0x1, s0  }
0x4: {  	s17 =	simm.s32 $0xC200;
	s18 =	simm.s32 $0xCA00;
	s2 =	sshll.u32 s0, $0x4  }
0x5: {  	s19 =	simm.s32 $0xD200;
	s3 =	sor.u32 s10, s2;
	s2 =	simm.s32 $0x0  }
0x6: {  	s21 =	simm.s32 $0xDA00;
	s22 =	simm.s32 $0xE200;
	[smem:$0x7FF] =	sst s2  }
0x7: {  	s24 =	simm.s32 $0xEA00;
	_ =	strace $0x80000047;
	[dreg:$0x4] =	wrdreg s16  }
0x8: {  	s26 =	simm.s32 $0xFA00;
	s31 =	simm.s32 $0x10200;
	[dreg:$0x5] =	wrdreg s17  }
0x9: {  	s11 =	simm.s32 $0x11A00;
	s12 =	simm.s32 $0x12200;
	[dreg:$0x6] =	wrdreg s18  }
0xa: {  	s14 =	simm.s32 $0x12A00;
	s15 =	simm.s32 $0x13A00;
	[dreg:$0x7] =	wrdreg s19  }
0xb: {  	s28 =	simm.s32 $0x4;
	s30 =	smul.u32 $0x19000, s10;
	[dreg:$0x8] =	wrdreg s21  }
0xc: {  	s29 =	simm.s32 $0x8;
	s13 =	smul.u32 $0x32000, s10;
	[dreg:$0x9] =	wrdreg s22  }
0xd: {  	s8 =	ssub.s32 $0x2, s0;
	s25 =	smul.u32 $0x190000, s0;
	[dreg:$0xa] =	wrdreg s24  }
0xe: {  	s0 =	smul.u32 $0x320000, s0;
	s9 =	sshrl.u32 s8, $0x1;
	[dreg:$0xb] =	wrdreg s26  }
0xf: {  	s8 =	ssub.s32 s8, s9;
	s9 =	simm.s32 $0x11200;
	[dreg:$0xc] =	wrdreg s31  }
0x10: {  	s10 =	simm.s32 $0x11;
	s4 =	smul.u32 $0x1900, s3;
	[dreg:$0xe] =	wrdreg s9  }
0x11: {  	s3 =	sadd.s32 $0x11A00, s1;
	s5 =	sadd.s32 s25, s5;
	[dreg:$0xf] =	wrdreg s11  }
0x12: {  	s0 =	sadd.s32 s0, s6;
	s25 =	simm.s32 $0x19200;
	[dreg:$0x10] =	wrdreg s12  }
0x13: {  	s6 =	simm.s32 $0xC;
	s23 =	smax.u32 s8, $0x1;
	[dreg:$0x11] =	wrdreg s14  }
0x14: {  	s5 =	sadd.s32 s30, s5;
	s0 =	sadd.s32 s13, s0;
	[dreg:$0x12] =	wrdreg s15  }
0x15: {  	s16 =	simm.s32 $0x14200;
	s17 =	simm.s32 $0x14A00;
	[dreg:$0x1c] =	wrdreg s25  }
0x16: {  	s18 =	simm.s32 $0x15200;
	s19 =	simm.s32 $0x15A00;
	[smem:$0x7FB] =	sst s23  }
0x17: {  	s12 =	simm.s32 $0x40;
	s13 =	simm.s32 $0x3200;
	[dreg:$0x13] =	wrdreg s16  }
0x18: {  	s21 =	simm.s32 $0x16A00;
	s14 =	simm.s32 $0xB200;
	[dreg:$0x14] =	wrdreg s17  }
0x19: {  	s22 =	simm.s32 $0x17A00;
	s15 =	simm.s32 $0x5200;
	[dreg:$0x15] =	wrdreg s18  }
0x1a: {  	s24 =	simm.s32 $0x18A00;
	s26 =	simm.s32 $0x19A00;
	[dreg:$0x16] =	wrdreg s19  }
0x1b: {  	s30 =	simm.s32 $0x1A200;
	s31 =	simm.s32 $0x1AA00;
	[dreg:$0x18] =	wrdreg s21  }
0x1c: {  	s25 =	simm.s32 $0x3;
	s8 =	simm.s32 $0x0;
	[dreg:$0x19] =	wrdreg s22  }
0x1d: {  	s7 =	sshrl.u32 s4, $0x3;
	s4 =	sadd.s32 $0x1E00, s1;
	[dreg:$0x1b] =	wrdreg s24  }
0x1e: {  	s5 =	sadd.s32 $0x800, s5;
	s0 =	sadd.s32 $0x1000, s0;
	[dreg:$0x1d] =	wrdreg s26  }
0x1f: {  	s23 =	simm.s32 $0x18200;
	s16 =	simm.s32 $0xF200;
	[dreg:$0x1e] =	wrdreg s30  }
0x20: {  	s17 =	simm.s32 $0x7200;
	s18 =	simm.s32 $0x13200;
	[dreg:$0x1f] =	wrdreg s31  }
0x21: {  	s19 =	simm.s32 $0x9200;
	s21 =	simm.s32 $0x1;
	[smem:$0x7FC] =	sst s5  }
0x22: {  	s22 =	simm.s32 $0x5;
	s24 =	simm.s32 $0x6;
	[smem:$0x7FD] =	sst s0  }
0x23: {  	s1 =	sadd.s32 s7, s1;
	s7 =	simm.s32 $0x10A00;
	[dreg:$0x1a] =	wrdreg s23  }
0x24: {  	s26 =	simm.s32 $0x7;
	s20 =	sadd.s32 $0x15A00, s1;
	[dreg:$0xd] =	wrdreg s7  }
0x25: {  	v2 =	vlaneseq.u32;
	s23 =	simm.s32 $0x2;
	s1 =	sadd.s32 $0x1BE00, s1;
	[smem:$0x7F9] =	sst s20  }
0x26: {  	vm0 =	vmmov $0xffff;
	v1 =	vshrl.u32 v2, $0x3;
	s5 =	simm.s32 $0xF;
	[smem:$0x7FA] =	sst s1;
	s20 =	simm.s32 $0x16200  }
0x27: {  	v0 =	vand.u32 $0x7, v2;
	v2 =	vor.u32 $0x8, v2;
	v1 =	vmul.u32 $0x8, v1;
	s7 =	simm.s32 $0x10;
	[dreg:$0x17] =	wrdreg s20;
	s20 =	simm.s32 $0x17200  }
.LBB2_1:
0x28: {  	s0 =	sld [smem:$0x7F9];
	_ =	sdelay $0x2  }
0x29: {  	[tilespmem:s2], [sflag:$0x11] =	stream.linear.gather [hbm4b:s0+s2], $0x1900, $0x38;
	[tilespmem:$0x1B200] =	vst v63  }
0x2a: {  	_ =	swait.ge [sflag:s10], $0x1900  }
0x2b: {  	s11 =	sld [smem:$0x7FA]  }
0x2c: {  	[sflag:s10] =	ssyncset.done $0x0  }
0x2d: {  	s1 =	simm.s32 $0x1900;
	[sflag:s10] =	ssyncadd.s32 $0xFFFFE700  }
0x2e: {  	[tilespmem:s1], [sflag:$0x11] =	stream.linear.gather [hbm4b:s11+s2], $0x1900, $0x38;
	[tilespmem:$0x1B200] =	vst v63  }
0x2f: {  	_ =	swait.ge [sflag:s10], $0x1900  }
0x30: {  	[sflag:s10] =	ssyncset.done $0x0;
	s9 =	sld [smem:$0x7FD]  }
0x31: {  	s31 =	simm.s32 $0x0;
	s30 =	sld [smem:$0x7FC];
	[sflag:s10] =	ssyncadd.s32 $0xFFFFE700  }
.LBB2_2:
0x32: {  	p0 =	seq.s32 s31, $0x0  }
0x33: {  	s1 =	simm.s32 @!p0 $0x9  }
0x34: {  	_ =	swait.ge @!p0 [sflag:s1], $0x2000  }
0x35: {  	[sflag:s1] =	ssyncset.done @!p0 $0x0  }
0x36: {  	[sflag:s1] =	ssyncadd.s32 @!p0 $0xFFFFE000;
	s1 =	simm.s32 @!p0 $0xD  }
0x37: {  	_ =	swait.ge @!p0 [sflag:s1], $0x4000  }
0x38: {  	[sflag:s1] =	ssyncset.done @!p0 $0x0  }
0x39: {  	[sflag:s1] =	ssyncadd.s32 @!p0 $0xFFFFC000;
	s1 =	sshra.s32 s31, $0x2  }
0x3a: {  	[tilespmem:s13], [sflag:$0x1] =	stream.indirect.gather [hbm4b:s3+s12], $0x80, s1, s12, $0xb8;
	[tilespmem:$0x1B200] =	vst v63  }
0x3b: {  	v3 =	vld [tilespmem:s1+$0x1900];
	_ =	sdelay $0x4  }
0x3c: {  	v4 =	vshll.u32 v3, $0x1  }
0x3d: {  	v3 =	vand.u32 $0x7, v3;
	v4 =	vand.u32 $0xFFFFFFF0, v4  }
0x3e: {  	v3 =	vor.u32 v3, v4  }
0x3f: {  	v4 =	vperm.xlane v3, v0;
	_ =	sdelay $0x1  }
0x40: {  	v3 =	vperm.xlane v3, v2;
	v4 =	vadd.s32 v1, v4;
	_ =	sdelay $0x1  }
0x41: {  	v3 =	vadd.s32 v1, v3;
	_ =	sdelay $0x2  }
0x42: {  	[tilespmem:s14], [sflag:$0x5] =	stream.indirect_vreg.gather [hbm4b:s4+s2], $0x80, v4, vm0, $0xb8;
	[tilespmem:$0x1B200] =	vst v63  }
0x43: {  	s0 =	rddreg [dreg:$0x4]  }
0x44: {  	[tilespmem:s0], [sflag:$0x5] =	stream.indirect_vreg.gather [hbm4b:s4+s2], $0x80, v3, vm0, $0xb8;
	[tilespmem:$0x1B200] =	vst v63  }
0x45: {  	v3 =	vld [tilespmem:s1+$0x1910];
	_ =	sdelay $0x4  }
0x46: {  	v49 =	vshll.u32 v3, $0x1  }
0x47: {  	v3 =	vand.u32 $0x7, v3;
	v4 =	vand.u32 $0xFFFFFFF0, v49  }
0x48: {  	v3 =	vor.u32 v3, v4  }
0x49: {  	v4 =	vperm.xlane v3, v0;
	_ =	sdelay $0x1  }
0x4a: {  	v3 =	vperm.xlane v3, v2;
	v4 =	vadd.s32 v1, v4;
	_ =	sdelay $0x1  }
0x4b: {  	v3 =	vadd.s32 v1, v3;
	_ =	sdelay $0x1  }
0x4c: {  	s0 =	rddreg [dreg:$0x5]  }
0x4d: {  	[tilespmem:s0], [sflag:$0x5] =	stream.indirect_vreg.gather [hbm4b:s4+s2], $0x80, v4, vm0, $0xb8;
	[tilespmem:$0x1B200] =	vst v63  }
0x4e: {  	s11 =	rddreg [dreg:$0x6]  }
0x4f: {  	[tilespmem:s11], [sflag:$0x5] =	stream.indirect_vreg.gather [hbm4b:s4+s2], $0x80, v3, vm0, $0xb8;
	[tilespmem:$0x1B200] =	vst v63  }
0x50: {  	v3 =	vld [tilespmem:s1+$0x1920];
	_ =	sdelay $0x4  }
0x51: {  	v50 =	vshll.u32 v3, $0x1  }
0x52: {  	v3 =	vand.u32 $0x7, v3;
	v4 =	vand.u32 $0xFFFFFFF0, v50  }
0x53: {  	v3 =	vor.u32 v3, v4  }
0x54: {  	v4 =	vperm.xlane v3, v0;
	_ =	sdelay $0x1  }
0x55: {  	v3 =	vperm.xlane v3, v2;
	v4 =	vadd.s32 v1, v4;
	_ =	sdelay $0x1  }
0x56: {  	v3 =	vadd.s32 v1, v3;
	_ =	sdelay $0x1  }
0x57: {  	s0 =	rddreg [dreg:$0x7]  }
0x58: {  	[tilespmem:s0], [sflag:$0x5] =	stream.indirect_vreg.gather [hbm4b:s4+s2], $0x80, v4, vm0, $0xb8;
	[tilespmem:$0x1B200] =	vst v63  }
0x59: {  	s11 =	rddreg [dreg:$0x8]  }
0x5a: {  	[tilespmem:s11], [sflag:$0x5] =	stream.indirect_vreg.gather [hbm4b:s4+s2], $0x80, v3, vm0, $0xb8;
	[tilespmem:$0x1B200] =	vst v63  }
0x5b: {  	v3 =	vld [tilespmem:s1+$0x1930];
	_ =	sdelay $0x4  }
0x5c: {  	v51 =	vshll.u32 v3, $0x1  }
0x5d: {  	v3 =	vand.u32 $0x7, v3;
	v4 =	vand.u32 $0xFFFFFFF0, v51  }
0x5e: {  	v3 =	vor.u32 v3, v4  }
0x5f: {  	v4 =	vperm.xlane v3, v0;
	_ =	sdelay $0x1  }
0x60: {  	v3 =	vperm.xlane v3, v2;
	v4 =	vadd.s32 v1, v4;
	_ =	sdelay $0x1  }
0x61: {  	v3 =	vadd.s32 v1, v3;
	_ =	sdelay $0x1  }
0x62: {  	s0 =	rddreg [dreg:$0x9]  }
0x63: {  	[tilespmem:s0], [sflag:$0x5] =	stream.indirect_vreg.gather [hbm4b:s4+s2], $0x80, v4, vm0, $0xb8;
	[tilespmem:$0x1B200] =	vst v63  }
0x64: {  	s11 =	rddreg [dreg:$0xa];
	s0 =	simm.s32 @!p0 $0xA  }
0x65: {  	[tilespmem:s11], [sflag:$0x5] =	stream.indirect_vreg.gather [hbm4b:s4+s2], $0x80, v3, vm0, $0xb8;
	[tilespmem:$0x1B200] =	vst v63  }
0x66: {  	_ =	swait.ge @!p0 [sflag:s0], $0x2000  }
0x67: {  	[sflag:s0] =	ssyncset.done @!p0 $0x0  }
0x68: {  	[sflag:s0] =	ssyncadd.s32 @!p0 $0xFFFFE000;
	s0 =	simm.s32 @!p0 $0xE  }
0x69: {  	_ =	swait.ge @!p0 [sflag:s0], $0x4000  }
0x6a: {  	[sflag:s0] =	ssyncset.done @!p0 $0x0  }
0x6b: {  	s11 =	sadd.s32 $0x40, s1;
	[sflag:s0] =	ssyncadd.s32 @!p0 $0xFFFFC000  }
0x6c: {  	[tilespmem:s15], [sflag:$0x2] =	stream.indirect.gather [hbm4b:s3+s12], $0x80, s11, s12, $0xb8;
	[tilespmem:$0x1B200] =	vst v63  }
0x6d: {  	v3 =	vld [tilespmem:s1+$0x1940];
	_ =	sdelay $0x4  }
0x6e: {  	v52 =	vshll.u32 v3, $0x1  }
0x6f: {  	v3 =	vand.u32 $0x7, v3;
	v4 =	vand.u32 $0xFFFFFFF0, v52  }
0x70: {  	v3 =	vor.u32 v3, v4  }
0x71: {  	v4 =	vperm.xlane v3, v0;
	_ =	sdelay $0x1  }
0x72: {  	v3 =	vperm.xlane v3, v2;
	v4 =	vadd.s32 v1, v4;
	_ =	sdelay $0x1  }
0x73: {  	v3 =	vadd.s32 v1, v3;
	_ =	sdelay $0x2  }
0x74: {  	[tilespmem:s16], [sflag:$0x6] =	stream.indirect_vreg.gather [hbm4b:s4+s2], $0x80, v4, vm0, $0xb8;
	[tilespmem:$0x1B200] =	vst v63  }
0x75: {  	s11 =	rddreg [dreg:$0xb]  }
0x76: {  	[tilespmem:s11], [sflag:$0x6] =	stream.indirect_vreg.gather [hbm4b:s4+s2], $0x80, v3, vm0, $0xb8;
	[tilespmem:$0x1B200] =	vst v63  }
0x77: {  	v3 =	vld [tilespmem:s1+$0x1950];
	_ =	sdelay $0x4  }
0x78: {  	v53 =	vshll.u32 v3, $0x1  }
0x79: {  	v3 =	vand.u32 $0x7, v3;
	v4 =	vand.u32 $0xFFFFFFF0, v53  }
0x7a: {  	v3 =	vor.u32 v3, v4  }
0x7b: {  	v4 =	vperm.xlane v3, v0;
	_ =	sdelay $0x1  }
0x7c: {  	v3 =	vperm.xlane v3, v2;
	v4 =	vadd.s32 v1, v4;
	_ =	sdelay $0x1  }
0x7d: {  	v3 =	vadd.s32 v1, v3;
	_ =	sdelay $0x1  }
0x7e: {  	s0 =	rddreg [dreg:$0xc]  }
0x7f: {  	[tilespmem:s0], [sflag:$0x6] =	stream.indirect_vreg.gather [hbm4b:s4+s2], $0x80, v4, vm0, $0xb8;
	[tilespmem:$0x1B200] =	vst v63  }
0x80: {  	s11 =	rddreg [dreg:$0xd]  }
0x81: {  	[tilespmem:s11], [sflag:$0x6] =	stream.indirect_vreg.gather [hbm4b:s4+s2], $0x80, v3, vm0, $0xb8;
	[tilespmem:$0x1B200] =	vst v63  }
0x82: {  	v3 =	vld [tilespmem:s1+$0x1960];
	_ =	sdelay $0x4  }
0x83: {  	v54 =	vshll.u32 v3, $0x1  }
0x84: {  	v3 =	vand.u32 $0x7, v3;
	v4 =	vand.u32 $0xFFFFFFF0, v54  }
0x85: {  	v3 =	vor.u32 v3, v4  }
0x86: {  	v4 =	vperm.xlane v3, v0;
	_ =	sdelay $0x1  }
0x87: {  	v3 =	vperm.xlane v3, v2;
	v4 =	vadd.s32 v1, v4;
	_ =	sdelay $0x1  }
0x88: {  	v3 =	vadd.s32 v1, v3;
	_ =	sdelay $0x1  }
0x89: {  	s0 =	rddreg [dreg:$0xe]  }
0x8a: {  	[tilespmem:s0], [sflag:$0x6] =	stream.indirect_vreg.gather [hbm4b:s4+s2], $0x80, v4, vm0, $0xb8;
	[tilespmem:$0x1B200] =	vst v63  }
0x8b: {  	s11 =	rddreg [dreg:$0xf]  }
0x8c: {  	[tilespmem:s11], [sflag:$0x6] =	stream.indirect_vreg.gather [hbm4b:s4+s2], $0x80, v3, vm0, $0xb8;
	[tilespmem:$0x1B200] =	vst v63  }
0x8d: {  	v3 =	vld [tilespmem:s1+$0x1970];
	_ =	sdelay $0x4  }
0x8e: {  	v55 =	vshll.u32 v3, $0x1  }
0x8f: {  	v3 =	vand.u32 $0x7, v3;
	v4 =	vand.u32 $0xFFFFFFF0, v55  }
0x90: {  	v3 =	vor.u32 v3, v4  }
0x91: {  	v4 =	vperm.xlane v3, v0;
	_ =	sdelay $0x1  }
0x92: {  	v3 =	vperm.xlane v3, v2;
	v4 =	vadd.s32 v1, v4;
	_ =	sdelay $0x1  }
0x93: {  	v3 =	vadd.s32 v1, v3;
	_ =	sdelay $0x1  }
0x94: {  	s0 =	rddreg [dreg:$0x10]  }
0x95: {  	[tilespmem:s0], [sflag:$0x6] =	stream.indirect_vreg.gather [hbm4b:s4+s2], $0x80, v4, vm0, $0xb8;
	[tilespmem:$0x1B200] =	vst v63  }
0x96: {  	s11 =	rddreg [dreg:$0x11];
	s0 =	simm.s32 @!p0 $0xB  }
0x97: {  	[tilespmem:s11], [sflag:$0x6] =	stream.indirect_vreg.gather [hbm4b:s4+s2], $0x80, v3, vm0, $0xb8;
	[tilespmem:$0x1B200] =	vst v63  }
0x98: {  	_ =	swait.ge @!p0 [sflag:s0], $0x2000  }
0x99: {  	[sflag:s0] =	ssyncset.done @!p0 $0x0  }
0x9a: {  	[sflag:s0] =	ssyncadd.s32 @!p0 $0xFFFFE000;
	s0 =	simm.s32 @!p0 $0xF  }
0x9b: {  	_ =	swait.ge @!p0 [sflag:s0], $0x4000  }
0x9c: {  	[sflag:s0] =	ssyncset.done @!p0 $0x0  }
0x9d: {  	s11 =	sadd.s32 $0x80, s1;
	[sflag:s0] =	ssyncadd.s32 @!p0 $0xFFFFC000  }
0x9e: {  	[tilespmem:s17], [sflag:$0x3] =	stream.indirect.gather [hbm4b:s3+s12], $0x80, s11, s12, $0xb8;
	[tilespmem:$0x1B200] =	vst v63  }
0x9f: {  	v3 =	vld [tilespmem:s1+$0x1980];
	_ =	sdelay $0x4  }
0xa0: {  	v56 =	vshll.u32 v3, $0x1  }
0xa1: {  	v3 =	vand.u32 $0x7, v3;
	v4 =	vand.u32 $0xFFFFFFF0, v56  }
0xa2: {  	v3 =	vor.u32 v3, v4  }
0xa3: {  	v4 =	vperm.xlane v3, v0;
	_ =	sdelay $0x1  }
0xa4: {  	v3 =	vperm.xlane v3, v2;
	v4 =	vadd.s32 v1, v4;
	_ =	sdelay $0x1  }
0xa5: {  	v3 =	vadd.s32 v1, v3;
	_ =	sdelay $0x2  }
0xa6: {  	[tilespmem:s18], [sflag:$0x7] =	stream.indirect_vreg.gather [hbm4b:s4+s2], $0x80, v4, vm0, $0xb8;
	[tilespmem:$0x1B200] =	vst v63  }
0xa7: {  	s11 =	rddreg [dreg:$0x12]  }
0xa8: {  	[tilespmem:s11], [sflag:$0x7] =	stream.indirect_vreg.gather [hbm4b:s4+s2], $0x80, v3, vm0, $0xb8;
	[tilespmem:$0x1B200] =	vst v63  }
0xa9: {  	v3 =	vld [tilespmem:s1+$0x1990];
	_ =	sdelay $0x4  }
0xaa: {  	v57 =	vshll.u32 v3, $0x1  }
0xab: {  	v3 =	vand.u32 $0x7, v3;
	v4 =	vand.u32 $0xFFFFFFF0, v57  }
0xac: {  	v3 =	vor.u32 v3, v4  }
0xad: {  	v4 =	vperm.xlane v3, v0;
	_ =	sdelay $0x1  }
0xae: {  	v3 =	vperm.xlane v3, v2;
	v4 =	vadd.s32 v1, v4;
	_ =	sdelay $0x1  }
0xaf: {  	v3 =	vadd.s32 v1, v3;
	_ =	sdelay $0x1  }
0xb0: {  	s0 =	rddreg [dreg:$0x13]  }
0xb1: {  	[tilespmem:s0], [sflag:$0x7] =	stream.indirect_vreg.gather [hbm4b:s4+s2], $0x80, v4, vm0, $0xb8;
	[tilespmem:$0x1B200] =	vst v63  }
0xb2: {  	s11 =	rddreg [dreg:$0x14]  }
0xb3: {  	[tilespmem:s11], [sflag:$0x7] =	stream.indirect_vreg.gather [hbm4b:s4+s2], $0x80, v3, vm0, $0xb8;
	[tilespmem:$0x1B200] =	vst v63  }
0xb4: {  	v3 =	vld [tilespmem:s1+$0x19A0];
	_ =	sdelay $0x4  }
0xb5: {  	v58 =	vshll.u32 v3, $0x1  }
0xb6: {  	v3 =	vand.u32 $0x7, v3;
	v4 =	vand.u32 $0xFFFFFFF0, v58  }
0xb7: {  	v3 =	vor.u32 v3, v4  }
0xb8: {  	v4 =	vperm.xlane v3, v0;
	_ =	sdelay $0x1  }
0xb9: {  	v3 =	vperm.xlane v3, v2;
	v4 =	vadd.s32 v1, v4;
	_ =	sdelay $0x1  }
0xba: {  	v3 =	vadd.s32 v1, v3;
	_ =	sdelay $0x1  }
0xbb: {  	s0 =	rddreg [dreg:$0x15]  }
0xbc: {  	[tilespmem:s0], [sflag:$0x7] =	stream.indirect_vreg.gather [hbm4b:s4+s2], $0x80, v4, vm0, $0xb8;
	[tilespmem:$0x1B200] =	vst v63  }
0xbd: {  	s11 =	rddreg [dreg:$0x16]  }
0xbe: {  	[tilespmem:s11], [sflag:$0x7] =	stream.indirect_vreg.gather [hbm4b:s4+s2], $0x80, v3, vm0, $0xb8;
	[tilespmem:$0x1B200] =	vst v63  }
0xbf: {  	v3 =	vld [tilespmem:s1+$0x19B0];
	_ =	sdelay $0x4  }
0xc0: {  	v59 =	vshll.u32 v3, $0x1  }
0xc1: {  	v3 =	vand.u32 $0x7, v3;
	v4 =	vand.u32 $0xFFFFFFF0, v59  }
0xc2: {  	v3 =	vor.u32 v3, v4  }
0xc3: {  	v4 =	vperm.xlane v3, v0;
	_ =	sdelay $0x1  }
0xc4: {  	v3 =	vperm.xlane v3, v2;
	v4 =	vadd.s32 v1, v4;
	_ =	sdelay $0x1  }
0xc5: {  	v3 =	vadd.s32 v1, v3;
	_ =	sdelay $0x1  }
0xc6: {  	s0 =	rddreg [dreg:$0x17]  }
0xc7: {  	[tilespmem:s0], [sflag:$0x7] =	stream.indirect_vreg.gather [hbm4b:s4+s2], $0x80, v4, vm0, $0xb8;
	[tilespmem:$0x1B200] =	vst v63  }
0xc8: {  	s11 =	rddreg [dreg:$0x18];
	s0 =	simm.s32 @!p0 $0xC  }
0xc9: {  	[tilespmem:s11], [sflag:$0x7] =	stream.indirect_vreg.gather [hbm4b:s4+s2], $0x80, v3, vm0, $0xb8;
	[tilespmem:$0x1B200] =	vst v63  }
0xca: {  	_ =	swait.ge @!p0 [sflag:s0], $0x2000  }
0xcb: {  	[sflag:s0] =	ssyncset.done @!p0 $0x0  }
0xcc: {  	[sflag:s0] =	ssyncadd.s32 @!p0 $0xFFFFE000;
	s0 =	simm.s32 @!p0 $0x10  }
0xcd: {  	_ =	swait.ge @!p0 [sflag:s0], $0x4000  }
0xce: {  	[sflag:s0] =	ssyncset.done @!p0 $0x0  }
0xcf: {  	s11 =	sadd.s32 $0xC0, s1;
	[sflag:s0] =	ssyncadd.s32 @!p0 $0xFFFFC000  }
0xd0: {  	[tilespmem:s19], [sflag:$0x4] =	stream.indirect.gather [hbm4b:s3+s12], $0x80, s11, s12, $0xb8;
	[tilespmem:$0x1B200] =	vst v63  }
0xd1: {  	v3 =	vld [tilespmem:s1+$0x19C0];
	_ =	sdelay $0x4  }
0xd2: {  	v60 =	vshll.u32 v3, $0x1  }
0xd3: {  	v3 =	vand.u32 $0x7, v3;
	v4 =	vand.u32 $0xFFFFFFF0, v60  }
0xd4: {  	v3 =	vor.u32 v3, v4  }
0xd5: {  	v4 =	vperm.xlane v3, v0;
	_ =	sdelay $0x1  }
0xd6: {  	v3 =	vperm.xlane v3, v2;
	v4 =	vadd.s32 v1, v4;
	_ =	sdelay $0x1  }
0xd7: {  	v3 =	vadd.s32 v1, v3;
	_ =	sdelay $0x2  }
0xd8: {  	[tilespmem:s20], [sflag:$0x8] =	stream.indirect_vreg.gather [hbm4b:s4+s2], $0x80, v4, vm0, $0xb8;
	[tilespmem:$0x1B200] =	vst v63  }
0xd9: {  	s11 =	rddreg [dreg:$0x19]  }
0xda: {  	[tilespmem:s11], [sflag:$0x8] =	stream.indirect_vreg.gather [hbm4b:s4+s2], $0x80, v3, vm0, $0xb8;
	[tilespmem:$0x1B200] =	vst v63  }
0xdb: {  	v3 =	vld [tilespmem:s1+$0x19D0];
	_ =	sdelay $0x4  }
0xdc: {  	v61 =	vshll.u32 v3, $0x1  }
0xdd: {  	v3 =	vand.u32 $0x7, v3;
	v4 =	vand.u32 $0xFFFFFFF0, v61  }
0xde: {  	v3 =	vor.u32 v3, v4  }
0xdf: {  	v4 =	vperm.xlane v3, v0;
	_ =	sdelay $0x1  }
0xe0: {  	v3 =	vperm.xlane v3, v2;
	v4 =	vadd.s32 v1, v4;
	_ =	sdelay $0x1  }
0xe1: {  	v3 =	vadd.s32 v1, v3;
	_ =	sdelay $0x1  }
0xe2: {  	s0 =	rddreg [dreg:$0x1a]  }
0xe3: {  	[tilespmem:s0], [sflag:$0x8] =	stream.indirect_vreg.gather [hbm4b:s4+s2], $0x80, v4, vm0, $0xb8;
	[tilespmem:$0x1B200] =	vst v63  }
0xe4: {  	s11 =	rddreg [dreg:$0x1b]  }
0xe5: {  	[tilespmem:s11], [sflag:$0x8] =	stream.indirect_vreg.gather [hbm4b:s4+s2], $0x80, v3, vm0, $0xb8;
	[tilespmem:$0x1B200] =	vst v63  }
0xe6: {  	v3 =	vld [tilespmem:s1+$0x19E0];
	_ =	sdelay $0x4  }
0xe7: {  	v62 =	vshll.u32 v3, $0x1  }
0xe8: {  	v3 =	vand.u32 $0x7, v3;
	v4 =	vand.u32 $0xFFFFFFF0, v62  }
0xe9: {  	v3 =	vor.u32 v3, v4  }
0xea: {  	v4 =	vperm.xlane v3, v0;
	_ =	sdelay $0x1  }
0xeb: {  	v3 =	vperm.xlane v3, v2;
	v4 =	vadd.s32 v1, v4;
	_ =	sdelay $0x1  }
0xec: {  	v3 =	vadd.s32 v1, v3;
	_ =	sdelay $0x1  }
0xed: {  	s0 =	rddreg [dreg:$0x1c]  }
0xee: {  	[tilespmem:s0], [sflag:$0x8] =	stream.indirect_vreg.gather [hbm4b:s4+s2], $0x80, v4, vm0, $0xb8;
	[tilespmem:$0x1B200] =	vst v63  }
0xef: {  	s11 =	rddreg [dreg:$0x1d]  }
0xf0: {  	[tilespmem:s11], [sflag:$0x8] =	stream.indirect_vreg.gather [hbm4b:s4+s2], $0x80, v3, vm0, $0xb8;
	[tilespmem:$0x1B200] =	vst v63  }
0xf1: {  	v3 =	vld [tilespmem:s1+$0x19F0];
	_ =	sdelay $0x4  }
0xf2: {  	v63 =	vshll.u32 v3, $0x1  }
0xf3: {  	v3 =	vand.u32 $0x7, v3;
	v4 =	vand.u32 $0xFFFFFFF0, v63  }
0xf4: {  	v3 =	vor.u32 v3, v4  }
0xf5: {  	v4 =	vperm.xlane v3, v0;
	_ =	sdelay $0x1  }
0xf6: {  	v3 =	vperm.xlane v3, v2;
	v4 =	vadd.s32 v1, v4;
	_ =	sdelay $0x1  }
0xf7: {  	v3 =	vadd.s32 v1, v3;
	_ =	sdelay $0x1  }
0xf8: {  	s1 =	rddreg [dreg:$0x1e]  }
0xf9: {  	[tilespmem:s1], [sflag:$0x8] =	stream.indirect_vreg.gather [hbm4b:s4+s2], $0x80, v4, vm0, $0xb8;
	[tilespmem:$0x1B200] =	vst v63  }
0xfa: {  	s11 =	rddreg [dreg:$0x1f]  }
0xfb: {  	[tilespmem:s11], [sflag:$0x8] =	stream.indirect_vreg.gather [hbm4b:s4+s2], $0x80, v3, vm0, $0xb8;
	[tilespmem:$0x1B200] =	vst v63  }
0xfc: {  	_ =	swait.ge [sflag:s21], $0x2000  }
0xfd: {  	[sflag:s21] =	ssyncset.done $0x0  }
0xfe: {  	s1 =	sadd.s32 $0xFFFFF800, s30;
	[sflag:s21] =	ssyncadd.s32 $0xFFFFE000  }
0xff: {  	[hbm4b:s1+s2] =	stream.linear.scatter [tilespmem:s13], [sflag:$0x9], $0x2000, $0x38;
	[tilespmem:$0x1B200] =	vst v63  }
0x100: {  	_ =	swait.ge [sflag:s22], $0x4000  }
0x101: {  	[sflag:s22] =	ssyncset.done $0x0  }
0x102: {  	s11 =	sadd.s32 $0xFFFFF000, s9;
	[sflag:s22] =	ssyncadd.s32 $0xFFFFC000  }
0x103: {  	[hbm4b:s11+s2] =	stream.linear.scatter [tilespmem:s14], [sflag:$0xD], $0x4000, $0x38;
	[tilespmem:$0x1B200] =	vst v63  }
0x104: {  	_ =	swait.ge [sflag:s23], $0x2000  }
0x105: {  	[sflag:s23] =	ssyncset.done $0x0  }
0x106: {  	s1 =	sadd.s32 $0xFFFFFC00, s30;
	[sflag:s23] =	ssyncadd.s32 $0xFFFFE000  }
0x107: {  	[hbm4b:s1+s2] =	stream.linear.scatter [tilespmem:s15], [sflag:$0xA], $0x2000, $0x38;
	[tilespmem:$0x1B200] =	vst v63  }
0x108: {  	_ =	swait.ge [sflag:s24], $0x4000  }
0x109: {  	[sflag:s24] =	ssyncset.done $0x0  }
0x10a: {  	s11 =	sadd.s32 $0xFFFFF800, s9;
	[sflag:s24] =	ssyncadd.s32 $0xFFFFC000  }
0x10b: {  	[hbm4b:s11+s2] =	stream.linear.scatter [tilespmem:s16], [sflag:$0xE], $0x4000, $0x38;
	[tilespmem:$0x1B200] =	vst v63  }
0x10c: {  	_ =	swait.ge [sflag:s25], $0x2000  }
0x10d: {  	[sflag:s25] =	ssyncset.done $0x0  }
0x10e: {  	[sflag:s25] =	ssyncadd.s32 $0xFFFFE000  }
0x10f: {  	[hbm4b:s30+s2] =	stream.linear.scatter [tilespmem:s17], [sflag:$0xB], $0x2000, $0x38;
	[tilespmem:$0x1B200] =	vst v63  }
0x110: {  	_ =	swait.ge [sflag:s26], $0x4000  }
0x111: {  	[sflag:s26] =	ssyncset.done $0x0  }
0x112: {  	[sflag:s26] =	ssyncadd.s32 $0xFFFFC000  }
0x113: {  	[hbm4b:s9+s2] =	stream.linear.scatter [tilespmem:s18], [sflag:$0xF], $0x4000, $0x38;
	[tilespmem:$0x1B200] =	vst v63  }
0x114: {  	_ =	swait.ge [sflag:s28], $0x2000  }
0x115: {  	s31 =	sadd.s32 $0x400, s31;
	[sflag:s28] =	ssyncset.done $0x0  }
0x116: {  	p0 =	sne.s32 s31, $0x6400;
	s1 =	sadd.s32 $0x400, s30;
	[sflag:s28] =	ssyncadd.s32 $0xFFFFE000  }
0x117: {  	[hbm4b:s1+s2] =	stream.linear.scatter [tilespmem:s19], [sflag:$0xC], $0x2000, $0x38;
	[tilespmem:$0x1B200] =	vst v63  }
.Ltmp0:
0x118: {  	_ = 	snop;
	(pc) =	sbr.rel @p0 .LBB2_2-.Ltmp0, $4  }
0x119: {  	_ =	swait.ge [sflag:s29], $0x4000  }
0x11a: {  	s11 =	sadd.s32 $0x800, s9;
	[sflag:s29] =	ssyncset.done $0x0  }
0x11b: {  	s30 =	sadd.s32 $0x1000, s30;
	s9 =	sadd.s32 $0x2000, s9;
	[sflag:s29] =	ssyncadd.s32 $0xFFFFC000  }
0x11c: {  	[hbm4b:s11+s2] =	stream.linear.scatter [tilespmem:s20], [sflag:$0x10], $0x4000, $0x38;
	[tilespmem:$0x1B200] =	vst v63  }
0x11d: {  	s0 =	simm.s32 $0x9  }
0x11e: {  	_ =	swait.ge [sflag:s0], $0x2000  }
0x11f: {  	[sflag:s0] =	ssyncset.done $0x0  }
0x120: {  	s1 =	simm.s32 $0xD;
	[sflag:s0] =	ssyncadd.s32 $0xFFFFE000  }
0x121: {  	_ =	swait.ge [sflag:s1], $0x4000  }
0x122: {  	[sflag:s1] =	ssyncset.done $0x0  }
0x123: {  	s9 =	simm.s32 $0xA;
	[sflag:s1] =	ssyncadd.s32 $0xFFFFC000  }
0x124: {  	_ =	swait.ge [sflag:s9], $0x2000  }
0x125: {  	[sflag:s9] =	ssyncset.done $0x0  }
0x126: {  	s11 =	simm.s32 $0xE;
	[sflag:s9] =	ssyncadd.s32 $0xFFFFE000  }
0x127: {  	_ =	swait.ge [sflag:s11], $0x4000  }
0x128: {  	[sflag:s11] =	ssyncset.done $0x0  }
0x129: {  	s30 =	simm.s32 $0xB;
	[sflag:s11] =	ssyncadd.s32 $0xFFFFC000  }
0x12a: {  	_ =	swait.ge [sflag:s30], $0x2000  }
0x12b: {  	[sflag:s30] =	ssyncset.done $0x0  }
0x12c: {  	[sflag:s30] =	ssyncadd.s32 $0xFFFFE000  }
0x12d: {  	_ =	swait.ge [sflag:s5], $0x4000  }
0x12e: {  	[sflag:s5] =	ssyncset.done $0x0  }
0x12f: {  	[sflag:s5] =	ssyncadd.s32 $0xFFFFC000  }
0x130: {  	_ =	swait.ge [sflag:s6], $0x2000  }
0x131: {  	[sflag:s6] =	ssyncset.done $0x0  }
0x132: {  	[sflag:s6] =	ssyncadd.s32 $0xFFFFE000  }
0x133: {  	_ =	swait.ge [sflag:s7], $0x4000  }
0x134: {  	s31 =	sld [smem:$0x7FB];
	_ =	sdelay $0x1  }
0x135: {  	s8 =	sadd.s32 $0x1, s8  }
0x136: {  	p0 =	sne.s32 s8, s31  }
.Ltmp1:
0x137: {  	_ = 	snop;
	(pc) =	sbr.rel @p0 .LBB2_1-.Ltmp1, $3  }
0x138: {  	_ =	sdelay $0x1  }
0x139: {  	[sflag:s7] =	ssyncset.done $0x0  }
0x13a: {  	[sflag:s7] =	ssyncadd.s32 $0xFFFFC000  }
0x13b: {  	_ =	sfence.sel $0x180000  }
0x13c: {  	[bflag:$0x0] =	sbarrier.arrive $0xFFFF  }
0x13d: {  	_ =	strace $0x90000047  }
0x13e: {  	s0 =	stileid.u32;
	[bflag:$0x2] =	sbarrier.arrive $0xFFFF  }
0x13f: {  	p0 =	sne.s32 s0, $0x0;
	s0 =	rddreg [dreg:$0x3]  }
0x140: {  	s0 =	sadd.s32 @!p0 $0x100000, s0  }
0x141: {  	[sflag:s0] =	ssyncadd.tile.s32 @!p0 $0x1;
	_ =	shalt  }
.Lfunc_end2:
_tile_overlayer_lowered:
.L_overlay_start_2:
0x142: {  	(tag) =	ssettag $0x2  }
0x143: {  	s0 =	rddreg [dreg:$0x0];
	s2 =	stileid.u32  }
0x144: {  	s1 =	rddreg [dreg:$0x1];
	p0 =	sne.s32 s2, $0x0  }
0x145: {  	s3 =	rddreg [dreg:$0x2];
	[bflag:$0x3] =	sbarrier.arrive $0xFFFF;
	s2 =	simm.s32 @!p0 $0x1C11  }
0x146: {  	[timem:s3], [sflag:s2] =	dma.local @!p0 [hbm:s0], s1  }
0x147: {  	s0 =	simm.s32 @!p0 $0x11  }
0x148: {  	_ =	swait.ge @!p0 [sflag:s0], s1  }
0x149: {  	s1 =	ssub.s32 @!p0 $0x0, s1;
	[sflag:s0] =	ssyncset.done @!p0 $0x0  }
0x14a: {  	[sflag:s0] =	ssyncadd.s32 @!p0 s1  }
0x14b: {  	[bflag:$0x3] =	sbarrier.arrive $0xFFFF  }
0x14c: {  	_ =	shalt  }

</sc_bundles>
